<compile_context>
chip_gen: v7x
topology: tpu7x:2x2x1
jax: 0.10.2.dev20260603
libtpu: 0.0.44.dev20260713+nightly
codegen_flags: <defaults>
</compile_context>

<pallas_src>
import functools

import jax
import jax.numpy as jnp
import numpy as np
from jax.experimental import pallas as pl
from jax.experimental.pallas import tpu as pltpu
from jax.experimental.pallas import tpu_sc as plsc

VOCAB = 1000
PV = 1024
NTOK = 65536
TB = 512

_TINY = np.float32(np.finfo(np.float32).tiny)
_K0 = 0
_K1 = 42
_KS2 = np.uint32(_K0 ^ _K1 ^ 0x1BD11BDA)
_ROT = ((13, 15, 26, 6), (17, 29, 16, 24))

_NC, _NS, _NL = 2, 16, 16
_NW = _NC * _NS

SC_TOK = 22528
TOK0 = NTOK - SC_TOK
NSTEPS_A = TOK0 // TB
NSTEPS_B = SC_TOK // TB

_TPW = SC_TOK // _NW
_RG = 8
_NG = _TPW // _RG
_GELEM = _RG * PV
_GCH = _GELEM // _NL
_UNROLL = 4


def _rotl(x, r):
    return (x << jnp.uint32(r)) | (x >> jnp.uint32(32 - r))


def _threefry_bits(x1):
    ks = (np.uint32(_K0), np.uint32(_K1), _KS2)
    x0 = x1
    x1 = _rotl(x1, _ROT[0][0]) ^ x0
    for r in _ROT[0][1:]:
        x0 = x0 + x1
        x1 = _rotl(x1, r)
        x1 = x1 ^ x0
    x0 = x0 + ks[1]
    x1 = x1 + np.uint32(ks[2] + np.uint32(1))
    for i in range(1, 5):
        for r in _ROT[i % 2]:
            x0 = x0 + x1
            x1 = _rotl(x1, r)
            x1 = x1 ^ x0
        x0 = x0 + ks[(i + 1) % 3]
        x1 = x1 + np.uint32(ks[(i + 2) % 3] + np.uint32(i + 1))
    return x0 ^ x1


def _make_body(from_sc_bits):
    def _body(src_ref, mb_ref, tabhi_ref, tablo_ref, yp_ref, loss_ref,
              acc_ref):
        step = pl.program_id(0)
        col = jax.lax.broadcasted_iota(jnp.int32, (TB, PV), 1)

        @pl.when(step == 0)
        def _init():
            acc_ref[0, 0] = 0.0

        mb = mb_ref[0]

        onehot = (col == mb).astype(jnp.bfloat16)
        logits = (jnp.dot(onehot, tabhi_ref[...],
                          preferred_element_type=jnp.float32)
                  + jnp.dot(onehot, tablo_ref[...],
                            preferred_element_type=jnp.float32))

        if from_sc_bits:
            bits = src_ref[0]
        else:
            bits = _threefry_bits(
                src_ref[...] + (step * (TB * VOCAB)).astype(jnp.uint32))

        fb = (bits >> jnp.uint32(9)) | jnp.uint32(0x3F800000)
        f = jax.lax.bitcast_convert_type(fb, jnp.float32) - jnp.float32(1.0)
        u = jnp.maximum(_TINY, f)
        g = -jnp.log(-jnp.log(u))

        z = logits + g
        zmax = jnp.max(z, axis=1, keepdims=True)
        win = jnp.min(jnp.where(z == zmax, col, PV), axis=1, keepdims=True)
        yp_ref[0] = win

        lmax = jnp.max(logits, axis=1, keepdims=True)
        s = jnp.sum(jnp.exp(logits - lmax), axis=1, keepdims=True)
        lse_tok = lmax + jnp.log(s)
        acc_ref[0, 0] += jnp.sum(lse_tok)
        loss_ref[...] = jnp.full((1, 1), acc_ref[0, 0], jnp.float32)

    return _body


def _tc_sample(src, mb, tab_hi, tab_lo, nsteps, from_sc_bits):
    src_spec = (pl.BlockSpec((1, TB, PV), lambda i: (i, 0, 0))
                if from_sc_bits else
                pl.BlockSpec((TB, PV), lambda i: (0, 0)))
    return pl.pallas_call(
        _make_body(from_sc_bits),
        grid=(nsteps,),
        in_specs=[
            src_spec,
            pl.BlockSpec((1, TB, 1), lambda i: (i, 0, 0)),
            pl.BlockSpec((PV, PV), lambda i: (0, 0)),
            pl.BlockSpec((PV, PV), lambda i: (0, 0)),
        ],
        out_specs=[
            pl.BlockSpec((1, TB, 1), lambda i: (i, 0, 0)),
            pl.BlockSpec((1, 1), lambda i: (0, 0)),
        ],
        out_shape=[
            jax.ShapeDtypeStruct((nsteps, TB, 1), jnp.int32),
            jax.ShapeDtypeStruct((1, 1), jnp.float32),
        ],
        scratch_shapes=[
            pltpu.SMEM((1, 1), jnp.float32),
        ],
    )(src, mb, tab_hi, tab_lo)



def _bits_body(out_hbm, buf_v):
    wid = jax.lax.axis_index("s") * _NC + jax.lax.axis_index("c")
    tok_base = TOK0 + wid * _TPW
    lane = jax.lax.iota(jnp.uint32, _NL)

    def _group(o, carry):
        def _chunk(j, c2):
            for k in range(_UNROLL):
                ci = j * _UNROLL + k
                t_rel = ci >> 6
                c0 = (ci & 63) << 4
                cnt0 = ((tok_base + o * _RG + t_rel) * VOCAB + c0
                        + _K1)
                x1 = lane + cnt0.astype(jnp.uint32)
                buf_v[pl.ds(ci * _NL, _NL)] = _threefry_bits(x1)
            return c2

        jax.lax.fori_loop(0, _GCH // _UNROLL, _chunk, 0)
        pltpu.sync_copy(
            buf_v,
            out_hbm.at[pl.ds((wid * _TPW + o * _RG) * PV, _GELEM)])
        return carry

    jax.lax.fori_loop(0, _NG, _group, 0)


@functools.cache
def _sc_mesh():
    return plsc.VectorSubcoreMesh(core_axis_name="c", subcore_axis_name="s",
                                  num_cores=_NC, num_subcores=_NS)


@functools.cache
def _sc_bits_fn():
    return pl.kernel(
        _bits_body,
        out_type=jax.ShapeDtypeStruct((SC_TOK * PV,), jnp.uint32),
        mesh=_sc_mesh(),
        scratch_types=[
            pltpu.VMEM((_GELEM,), jnp.uint32),
        ],
    )



_BPW = NTOK // _NW
_CH = _BPW // _NL


def _tgt_body(mb_hbm, y_hbm, tabf_hbm, out_hbm, mb_v, y_v, idx_v, val_v,
              acc_v, sem):
    wid = jax.lax.axis_index("s") * _NC + jax.lax.axis_index("c")
    base = wid * _BPW
    pltpu.sync_copy(mb_hbm.at[pl.ds(base, _BPW)], mb_v)
    pltpu.sync_copy(y_hbm.at[pl.ds(base, _BPW)], y_v)

    def _mk_idx(i, carry):
        sl = pl.ds(i * _NL, _NL)
        idx_v[sl] = mb_v[sl] * VOCAB + y_v[sl]
        return carry

    jax.lax.fori_loop(0, _CH, _mk_idx, 0)
    pltpu.async_copy(tabf_hbm.at[idx_v], val_v, sem).wait()

    def _acc(i, acc):
        return acc + val_v[pl.ds(i * _NL, _NL)]

    acc_v[...] = jax.lax.fori_loop(0, _CH, _acc,
                                   jnp.zeros((_NL,), jnp.float32))
    pltpu.sync_copy(acc_v, out_hbm.at[wid])


@functools.cache
def _tgt_partials_fn():
    return pl.kernel(
        _tgt_body,
        out_type=jax.ShapeDtypeStruct((_NW, _NL), jnp.float32),
        mesh=_sc_mesh(),
        scratch_types=[
            pltpu.VMEM((_BPW,), jnp.int32),
            pltpu.VMEM((_BPW,), jnp.int32),
            pltpu.VMEM((_BPW,), jnp.int32),
            pltpu.VMEM((_BPW,), jnp.float32),
            pltpu.VMEM((_NL,), jnp.float32),
            pltpu.SemaphoreType.DMA,
        ],
    )


@jax.jit
def kernel(mini_batch, y, embed_weight):
    mbf = mini_batch.reshape(NTOK)
    mb_a = mbf[:TOK0].reshape(NSTEPS_A, TB, 1)
    mb_b = mbf[TOK0:].reshape(NSTEPS_B, TB, 1)
    tab = jnp.pad(embed_weight, ((0, PV - VOCAB), (0, 0)))
    tab = jnp.pad(tab, ((0, 0), (0, PV - VOCAB)),
                  constant_values=-1e30)
    tab_hi = tab.astype(jnp.bfloat16)
    tab_lo = (tab - tab_hi.astype(jnp.float32)).astype(jnp.bfloat16)

    cnt_inv = (jnp.arange(TB, dtype=jnp.uint32)[:, None] * jnp.uint32(VOCAB)
               + jnp.arange(PV, dtype=jnp.uint32)[None, :]
               + jnp.uint32(_K1))

    bits_sc = _sc_bits_fn()()
    tgt_part = _tgt_partials_fn()(mbf, y.reshape(NTOK),
                             embed_weight.reshape(VOCAB * VOCAB))

    yp_a, lse_a = _tc_sample(cnt_inv, mb_a, tab_hi, tab_lo, NSTEPS_A,
                             from_sc_bits=False)
    yp_b, lse_b = _tc_sample(bits_sc.reshape(NSTEPS_B, TB, PV), mb_b,
                             tab_hi, tab_lo, NSTEPS_B, from_sc_bits=True)

    loss = ((lse_a[0, 0] + lse_b[0, 0]) - jnp.sum(tgt_part)) \
        * jnp.float32(1.0 / NTOK)
    yp = jnp.concatenate([yp_a.reshape(TOK0), yp_b.reshape(SC_TOK)])
    return yp, loss

# --- scband reference (transcript-rebuilt; emitter-appended) ---
"""Pipeline reference for scband-bigram-lm-11347303596191 (READ-ONLY COPY).

The authoritative reference and input builder live on the scoring server;
editing this copy changes nothing except your own understanding.
"""

import jax, jax.numpy as jnp
import numpy as np

VOCAB = 1000
EMB = 1000  # bigram LM: emb_size == vocab_size so embeddings are logits
B, T = 32, 2048


def setup_inputs(seed: int = 0) -> dict:
    key = jax.random.key(seed)
    k1, k2, k3 = jax.random.split(key, 3)
    mini_batch = jax.random.randint(k1, (B, T), 0, VOCAB, dtype=jnp.int32)
    y = jax.random.randint(k2, (B, T), 0, VOCAB, dtype=jnp.int32)
    embed_weight = jax.random.normal(k3, (VOCAB, EMB), dtype=jnp.float32) * 0.02
    return {"mini_batch": mini_batch, "y": y, "embed_weight": embed_weight}


def reference(mini_batch, y, embed_weight):
    # nn.Embedding lookup -> logits of shape (B, T, EMB)
    logits = jnp.take(embed_weight, mini_batch, axis=0)
    flat_logits = logits.reshape(-1, logits.shape[-1])  # (B*T, EMB)
    # F.softmax + torch.multinomial(num_samples=1) == categorical sampling over logits
    y_pred = jax.random.categorical(jax.random.key(42), flat_logits, axis=-1)  # (B*T,)
    # CrossEntropyLoss(mean) over flattened tokens
    lse = jax.scipy.special.logsumexp(flat_logits, axis=-1)
    tgt_logit = jnp.take_along_axis(flat_logits, y.reshape(-1, 1).astype(jnp.int32), axis=-1).squeeze(-1)
    loss = jnp.mean(lse - tgt_logit)
    return (y_pred, loss)

if __name__ == "__main__":
    import jax
    _d = setup_inputs()
    print(jax.jit(kernel)(*tuple(_d.values())))

</pallas_src>

<mosaic_0001>
#map = affine_map<(d0, d1) -> (0)>
module attributes {stable_mosaic.version = 14 : i64} {
  func.func @_bits_body(%arg0: i32, %arg1: i32, %arg2: memref<23068672xi32, #tpu.memory_space<hbm>>, %arg3: memref<8192xi32, #tpu.memory_space<vmem>>) attributes {dimension_semantics = [#tpu.dimension_semantics<core_parallel>, #tpu.dimension_semantics<subcore_parallel>], iteration_bounds = array<i64: 2, 16>, scalar_prefetch = 0 : i64, scratch_operands = 1 : i64, tpu.core_type = #tpu.core_type<sc_vector_subcore>, window_params = [{transform_indices = #map}]} {
    %mul3A = arith.constant 2 : i32
    %mul3A_0 = arith.muli %arg1, %mul3A : i32
    %add3A = arith.addi %mul3A_0, %arg0 : i32
    %mul3A_1 = arith.constant 704 : i32
    %mul3A_2 = arith.muli %add3A, %mul3A_1 : i32
    %add3A_3 = arith.constant 43008 : i32
    %add3A_4 = arith.addi %add3A_3, %mul3A_2 : i32
    %iota3A = tpu.iota {dimensions = array<i32: 0>} : vector<16xi32>
    %scan3A = arith.constant 0 : i32
    %scan3A_5 = arith.constant 0 : i32
    %scan3A_6 = arith.constant 88 : i32
    %scan3A_7 = arith.addi %scan3A_5, %scan3A_6 : i32
    %scan3A_8 = arith.constant 1 : i32
    scf.for %scan3A_10 = %scan3A_5 to %scan3A_7 step %scan3A_8  : i32 {
      %scan3A_11 = arith.constant 0 : i32
      %scan3A_12 = arith.constant 0 : i32
      %scan3A_13 = arith.constant 128 : i32
      %scan3A_14 = arith.addi %scan3A_12, %scan3A_13 : i32
      %scan3A_15 = arith.constant 1 : i32
      scf.for %scan3A_24 = %scan3A_12 to %scan3A_14 step %scan3A_15  : i32 {
        %mul3A_25 = arith.constant 4 : i32
        %mul3A_26 = arith.muli %scan3A_24, %mul3A_25 : i32
        %add3A_27 = arith.constant 0 : i32
        %add3A_28 = arith.addi %mul3A_26, %add3A_27 : i32
        %shift_right_arithmetic3A = arith.constant 6 : i32
        %shift_right_arithmetic3A_29 = arith.shrsi %add3A_28, %shift_right_arithmetic3A : i32
        %and3A = arith.constant 63 : i32
        %and3A_30 = arith.andi %add3A_28, %and3A : i32
        %shift_left3A = arith.constant 4 : i32
        %shift_left3A_31 = arith.shli %and3A_30, %shift_left3A : i32
        %mul3A_32 = arith.constant 8 : i32
        %mul3A_33 = arith.muli %scan3A_10, %mul3A_32 : i32
        %add3A_34 = arith.addi %add3A_4, %mul3A_33 : i32
        %add3A_35 = arith.addi %add3A_34, %shift_right_arithmetic3A_29 : i32
        %mul3A_36 = arith.constant 1000 : i32
        %mul3A_37 = arith.muli %add3A_35, %mul3A_36 : i32
        %add3A_38 = arith.addi %mul3A_37, %shift_left3A_31 : i32
        %add3A_39 = arith.constant 42 : i32
        %add3A_40 = arith.addi %add3A_38, %add3A_39 : i32
        %add3A_41 = vector.broadcast %add3A_40 : i32 to vector<16xi32>
        %add3A_42 = arith.addi %iota3A, %add3A_41 : vector<16xi32>
        %shift_left3A_43 = arith.constant 13 : i32
        %shift_left3A_44 = vector.broadcast %shift_left3A_43 : i32 to vector<16xi32>
        %shift_left3A_45 = arith.shli %add3A_42, %shift_left3A_44 : vector<16xi32>
        %shift_right_logical3A = arith.constant 19 : i32
        %shift_right_logical3A_46 = vector.broadcast %shift_right_logical3A : i32 to vector<16xi32>
        %shift_right_logical3A_47 = arith.shrui %add3A_42, %shift_right_logical3A_46 : vector<16xi32>
        %or3A = arith.ori %shift_left3A_45, %shift_right_logical3A_47 : vector<16xi32>
        %xor3A = arith.xori %or3A, %add3A_42 : vector<16xi32>
        %add3A_48 = arith.addi %add3A_42, %xor3A : vector<16xi32>
        %shift_left3A_49 = arith.constant 15 : i32
        %shift_left3A_50 = vector.broadcast %shift_left3A_49 : i32 to vector<16xi32>
        %shift_left3A_51 = arith.shli %xor3A, %shift_left3A_50 : vector<16xi32>
        %shift_right_logical3A_52 = arith.constant 17 : i32
        %shift_right_logical3A_53 = vector.broadcast %shift_right_logical3A_52 : i32 to vector<16xi32>
        %shift_right_logical3A_54 = arith.shrui %xor3A, %shift_right_logical3A_53 : vector<16xi32>
        %or3A_55 = arith.ori %shift_left3A_51, %shift_right_logical3A_54 : vector<16xi32>
        %xor3A_56 = arith.xori %or3A_55, %add3A_48 : vector<16xi32>
        %add3A_57 = arith.addi %add3A_48, %xor3A_56 : vector<16xi32>
        %shift_left3A_58 = arith.constant 26 : i32
        %shift_left3A_59 = vector.broadcast %shift_left3A_58 : i32 to vector<16xi32>
        %shift_left3A_60 = arith.shli %xor3A_56, %shift_left3A_59 : vector<16xi32>
        %shift_right_logical3A_61 = arith.constant 6 : i32
        %shift_right_logical3A_62 = vector.broadcast %shift_right_logical3A_61 : i32 to vector<16xi32>
        %shift_right_logical3A_63 = arith.shrui %xor3A_56, %shift_right_logical3A_62 : vector<16xi32>
        %or3A_64 = arith.ori %shift_left3A_60, %shift_right_logical3A_63 : vector<16xi32>
        %xor3A_65 = arith.xori %or3A_64, %add3A_57 : vector<16xi32>
        %add3A_66 = arith.addi %add3A_57, %xor3A_65 : vector<16xi32>
        %shift_left3A_67 = arith.constant 6 : i32
        %shift_left3A_68 = vector.broadcast %shift_left3A_67 : i32 to vector<16xi32>
        %shift_left3A_69 = arith.shli %xor3A_65, %shift_left3A_68 : vector<16xi32>
        %shift_right_logical3A_70 = arith.constant 26 : i32
        %shift_right_logical3A_71 = vector.broadcast %shift_right_logical3A_70 : i32 to vector<16xi32>
        %shift_right_logical3A_72 = arith.shrui %xor3A_65, %shift_right_logical3A_71 : vector<16xi32>
        %or3A_73 = arith.ori %shift_left3A_69, %shift_right_logical3A_72 : vector<16xi32>
        %xor3A_74 = arith.xori %or3A_73, %add3A_66 : vector<16xi32>
        %add3A_75 = arith.constant 42 : i32
        %add3A_76 = vector.broadcast %add3A_75 : i32 to vector<16xi32>
        %add3A_77 = arith.addi %add3A_66, %add3A_76 : vector<16xi32>
        %add3A_78 = arith.constant 466689009 : i32
        %add3A_79 = vector.broadcast %add3A_78 : i32 to vector<16xi32>
        %add3A_80 = arith.addi %xor3A_74, %add3A_79 : vector<16xi32>
        %add3A_81 = arith.addi %add3A_77, %add3A_80 : vector<16xi32>
        %shift_left3A_82 = arith.constant 17 : i32
        %shift_left3A_83 = vector.broadcast %shift_left3A_82 : i32 to vector<16xi32>
        %shift_left3A_84 = arith.shli %add3A_80, %shift_left3A_83 : vector<16xi32>
        %shift_right_logical3A_85 = arith.constant 15 : i32
        %shift_right_logical3A_86 = vector.broadcast %shift_right_logical3A_85 : i32 to vector<16xi32>
        %shift_right_logical3A_87 = arith.shrui %add3A_80, %shift_right_logical3A_86 : vector<16xi32>
        %or3A_88 = arith.ori %shift_left3A_84, %shift_right_logical3A_87 : vector<16xi32>
        %xor3A_89 = arith.xori %or3A_88, %add3A_81 : vector<16xi32>
        %add3A_90 = arith.addi %add3A_81, %xor3A_89 : vector<16xi32>
        %shift_left3A_91 = arith.constant 29 : i32
        %shift_left3A_92 = vector.broadcast %shift_left3A_91 : i32 to vector<16xi32>
        %shift_left3A_93 = arith.shli %xor3A_89, %shift_left3A_92 : vector<16xi32>
        %shift_right_logical3A_94 = arith.constant 3 : i32
        %shift_right_logical3A_95 = vector.broadcast %shift_right_logical3A_94 : i32 to vector<16xi32>
        %shift_right_logical3A_96 = arith.shrui %xor3A_89, %shift_right_logical3A_95 : vector<16xi32>
        %or3A_97 = arith.ori %shift_left3A_93, %shift_right_logical3A_96 : vector<16xi32>
        %xor3A_98 = arith.xori %or3A_97, %add3A_90 : vector<16xi32>
        %add3A_99 = arith.addi %add3A_90, %xor3A_98 : vector<16xi32>
        %shift_left3A_100 = arith.constant 16 : i32
        %shift_left3A_101 = vector.broadcast %shift_left3A_100 : i32 to vector<16xi32>
        %shift_left3A_102 = arith.shli %xor3A_98, %shift_left3A_101 : vector<16xi32>
        %shift_right_logical3A_103 = arith.constant 16 : i32
        %shift_right_logical3A_104 = vector.broadcast %shift_right_logical3A_103 : i32 to vector<16xi32>
        %shift_right_logical3A_105 = arith.shrui %xor3A_98, %shift_right_logical3A_104 : vector<16xi32>
        %or3A_106 = arith.ori %shift_left3A_102, %shift_right_logical3A_105 : vector<16xi32>
        %xor3A_107 = arith.xori %or3A_106, %add3A_99 : vector<16xi32>
        %add3A_108 = arith.addi %add3A_99, %xor3A_107 : vector<16xi32>
        %shift_left3A_109 = arith.constant 24 : i32
        %shift_left3A_110 = vector.broadcast %shift_left3A_109 : i32 to vector<16xi32>
        %shift_left3A_111 = arith.shli %xor3A_107, %shift_left3A_110 : vector<16xi32>
        %shift_right_logical3A_112 = arith.constant 8 : i32
        %shift_right_logical3A_113 = vector.broadcast %shift_right_logical3A_112 : i32 to vector<16xi32>
        %shift_right_logical3A_114 = arith.shrui %xor3A_107, %shift_right_logical3A_113 : vector<16xi32>
        %or3A_115 = arith.ori %shift_left3A_111, %shift_right_logical3A_114 : vector<16xi32>
        %xor3A_116 = arith.xori %or3A_115, %add3A_108 : vector<16xi32>
        %add3A_117 = arith.constant 466689008 : i32
        %add3A_118 = vector.broadcast %add3A_117 : i32 to vector<16xi32>
        %add3A_119 = arith.addi %add3A_108, %add3A_118 : vector<16xi32>
        %add3A_120 = arith.constant 2 : i32
        %add3A_121 = vector.broadcast %add3A_120 : i32 to vector<16xi32>
        %add3A_122 = arith.addi %xor3A_116, %add3A_121 : vector<16xi32>
        %add3A_123 = arith.addi %add3A_119, %add3A_122 : vector<16xi32>
        %shift_left3A_124 = arith.constant 13 : i32
        %shift_left3A_125 = vector.broadcast %shift_left3A_124 : i32 to vector<16xi32>
        %shift_left3A_126 = arith.shli %add3A_122, %shift_left3A_125 : vector<16xi32>
        %shift_right_logical3A_127 = arith.constant 19 : i32
        %shift_right_logical3A_128 = vector.broadcast %shift_right_logical3A_127 : i32 to vector<16xi32>
        %shift_right_logical3A_129 = arith.shrui %add3A_122, %shift_right_logical3A_128 : vector<16xi32>
        %or3A_130 = arith.ori %shift_left3A_126, %shift_right_logical3A_129 : vector<16xi32>
        %xor3A_131 = arith.xori %or3A_130, %add3A_123 : vector<16xi32>
        %add3A_132 = arith.addi %add3A_123, %xor3A_131 : vector<16xi32>
        %shift_left3A_133 = arith.constant 15 : i32
        %shift_left3A_134 = vector.broadcast %shift_left3A_133 : i32 to vector<16xi32>
        %shift_left3A_135 = arith.shli %xor3A_131, %shift_left3A_134 : vector<16xi32>
        %shift_right_logical3A_136 = arith.constant 17 : i32
        %shift_right_logical3A_137 = vector.broadcast %shift_right_logical3A_136 : i32 to vector<16xi32>
        %shift_right_logical3A_138 = arith.shrui %xor3A_131, %shift_right_logical3A_137 : vector<16xi32>
        %or3A_139 = arith.ori %shift_left3A_135, %shift_right_logical3A_138 : vector<16xi32>
        %xor3A_140 = arith.xori %or3A_139, %add3A_132 : vector<16xi32>
        %add3A_141 = arith.addi %add3A_132, %xor3A_140 : vector<16xi32>
        %shift_left3A_142 = arith.constant 26 : i32
        %shift_left3A_143 = vector.broadcast %shift_left3A_142 : i32 to vector<16xi32>
        %shift_left3A_144 = arith.shli %xor3A_140, %shift_left3A_143 : vector<16xi32>
        %shift_right_logical3A_145 = arith.constant 6 : i32
        %shift_right_logical3A_146 = vector.broadcast %shift_right_logical3A_145 : i32 to vector<16xi32>
        %shift_right_logical3A_147 = arith.shrui %xor3A_140, %shift_right_logical3A_146 : vector<16xi32>
        %or3A_148 = arith.ori %shift_left3A_144, %shift_right_logical3A_147 : vector<16xi32>
        %xor3A_149 = arith.xori %or3A_148, %add3A_141 : vector<16xi32>
        %add3A_150 = arith.addi %add3A_141, %xor3A_149 : vector<16xi32>
        %shift_left3A_151 = arith.constant 6 : i32
        %shift_left3A_152 = vector.broadcast %shift_left3A_151 : i32 to vector<16xi32>
        %shift_left3A_153 = arith.shli %xor3A_149, %shift_left3A_152 : vector<16xi32>
        %shift_right_logical3A_154 = arith.constant 26 : i32
        %shift_right_logical3A_155 = vector.broadcast %shift_right_logical3A_154 : i32 to vector<16xi32>
        %shift_right_logical3A_156 = arith.shrui %xor3A_149, %shift_right_logical3A_155 : vector<16xi32>
        %or3A_157 = arith.ori %shift_left3A_153, %shift_right_logical3A_156 : vector<16xi32>
        %xor3A_158 = arith.xori %or3A_157, %add3A_150 : vector<16xi32>
        %add3A_159 = arith.constant 0 : i32
        %add3A_160 = vector.broadcast %add3A_159 : i32 to vector<16xi32>
        %add3A_161 = arith.addi %add3A_150, %add3A_160 : vector<16xi32>
        %add3A_162 = arith.constant 45 : i32
        %add3A_163 = vector.broadcast %add3A_162 : i32 to vector<16xi32>
        %add3A_164 = arith.addi %xor3A_158, %add3A_163 : vector<16xi32>
        %add3A_165 = arith.addi %add3A_161, %add3A_164 : vector<16xi32>
        %shift_left3A_166 = arith.constant 17 : i32
        %shift_left3A_167 = vector.broadcast %shift_left3A_166 : i32 to vector<16xi32>
        %shift_left3A_168 = arith.shli %add3A_164, %shift_left3A_167 : vector<16xi32>
        %shift_right_logical3A_169 = arith.constant 15 : i32
        %shift_right_logical3A_170 = vector.broadcast %shift_right_logical3A_169 : i32 to vector<16xi32>
        %shift_right_logical3A_171 = arith.shrui %add3A_164, %shift_right_logical3A_170 : vector<16xi32>
        %or3A_172 = arith.ori %shift_left3A_168, %shift_right_logical3A_171 : vector<16xi32>
        %xor3A_173 = arith.xori %or3A_172, %add3A_165 : vector<16xi32>
        %add3A_174 = arith.addi %add3A_165, %xor3A_173 : vector<16xi32>
        %shift_left3A_175 = arith.constant 29 : i32
        %shift_left3A_176 = vector.broadcast %shift_left3A_175 : i32 to vector<16xi32>
        %shift_left3A_177 = arith.shli %xor3A_173, %shift_left3A_176 : vector<16xi32>
        %shift_right_logical3A_178 = arith.constant 3 : i32
        %shift_right_logical3A_179 = vector.broadcast %shift_right_logical3A_178 : i32 to vector<16xi32>
        %shift_right_logical3A_180 = arith.shrui %xor3A_173, %shift_right_logical3A_179 : vector<16xi32>
        %or3A_181 = arith.ori %shift_left3A_177, %shift_right_logical3A_180 : vector<16xi32>
        %xor3A_182 = arith.xori %or3A_181, %add3A_174 : vector<16xi32>
        %add3A_183 = arith.addi %add3A_174, %xor3A_182 : vector<16xi32>
        %shift_left3A_184 = arith.constant 16 : i32
        %shift_left3A_185 = vector.broadcast %shift_left3A_184 : i32 to vector<16xi32>
        %shift_left3A_186 = arith.shli %xor3A_182, %shift_left3A_185 : vector<16xi32>
        %shift_right_logical3A_187 = arith.constant 16 : i32
        %shift_right_logical3A_188 = vector.broadcast %shift_right_logical3A_187 : i32 to vector<16xi32>
        %shift_right_logical3A_189 = arith.shrui %xor3A_182, %shift_right_logical3A_188 : vector<16xi32>
        %or3A_190 = arith.ori %shift_left3A_186, %shift_right_logical3A_189 : vector<16xi32>
        %xor3A_191 = arith.xori %or3A_190, %add3A_183 : vector<16xi32>
        %add3A_192 = arith.addi %add3A_183, %xor3A_191 : vector<16xi32>
        %shift_left3A_193 = arith.constant 24 : i32
        %shift_left3A_194 = vector.broadcast %shift_left3A_193 : i32 to vector<16xi32>
        %shift_left3A_195 = arith.shli %xor3A_191, %shift_left3A_194 : vector<16xi32>
        %shift_right_logical3A_196 = arith.constant 8 : i32
        %shift_right_logical3A_197 = vector.broadcast %shift_right_logical3A_196 : i32 to vector<16xi32>
        %shift_right_logical3A_198 = arith.shrui %xor3A_191, %shift_right_logical3A_197 : vector<16xi32>
        %or3A_199 = arith.ori %shift_left3A_195, %shift_right_logical3A_198 : vector<16xi32>
        %xor3A_200 = arith.xori %or3A_199, %add3A_192 : vector<16xi32>
        %add3A_201 = arith.constant 42 : i32
        %add3A_202 = vector.broadcast %add3A_201 : i32 to vector<16xi32>
        %add3A_203 = arith.addi %add3A_192, %add3A_202 : vector<16xi32>
        %add3A_204 = arith.constant 466689012 : i32
        %add3A_205 = vector.broadcast %add3A_204 : i32 to vector<16xi32>
        %add3A_206 = arith.addi %xor3A_200, %add3A_205 : vector<16xi32>
        %add3A_207 = arith.addi %add3A_203, %add3A_206 : vector<16xi32>
        %shift_left3A_208 = arith.constant 13 : i32
        %shift_left3A_209 = vector.broadcast %shift_left3A_208 : i32 to vector<16xi32>
        %shift_left3A_210 = arith.shli %add3A_206, %shift_left3A_209 : vector<16xi32>
        %shift_right_logical3A_211 = arith.constant 19 : i32
        %shift_right_logical3A_212 = vector.broadcast %shift_right_logical3A_211 : i32 to vector<16xi32>
        %shift_right_logical3A_213 = arith.shrui %add3A_206, %shift_right_logical3A_212 : vector<16xi32>
        %or3A_214 = arith.ori %shift_left3A_210, %shift_right_logical3A_213 : vector<16xi32>
        %xor3A_215 = arith.xori %or3A_214, %add3A_207 : vector<16xi32>
        %add3A_216 = arith.addi %add3A_207, %xor3A_215 : vector<16xi32>
        %shift_left3A_217 = arith.constant 15 : i32
        %shift_left3A_218 = vector.broadcast %shift_left3A_217 : i32 to vector<16xi32>
        %shift_left3A_219 = arith.shli %xor3A_215, %shift_left3A_218 : vector<16xi32>
        %shift_right_logical3A_220 = arith.constant 17 : i32
        %shift_right_logical3A_221 = vector.broadcast %shift_right_logical3A_220 : i32 to vector<16xi32>
        %shift_right_logical3A_222 = arith.shrui %xor3A_215, %shift_right_logical3A_221 : vector<16xi32>
        %or3A_223 = arith.ori %shift_left3A_219, %shift_right_logical3A_222 : vector<16xi32>
        %xor3A_224 = arith.xori %or3A_223, %add3A_216 : vector<16xi32>
        %add3A_225 = arith.addi %add3A_216, %xor3A_224 : vector<16xi32>
        %shift_left3A_226 = arith.constant 26 : i32
        %shift_left3A_227 = vector.broadcast %shift_left3A_226 : i32 to vector<16xi32>
        %shift_left3A_228 = arith.shli %xor3A_224, %shift_left3A_227 : vector<16xi32>
        %shift_right_logical3A_229 = arith.constant 6 : i32
        %shift_right_logical3A_230 = vector.broadcast %shift_right_logical3A_229 : i32 to vector<16xi32>
        %shift_right_logical3A_231 = arith.shrui %xor3A_224, %shift_right_logical3A_230 : vector<16xi32>
        %or3A_232 = arith.ori %shift_left3A_228, %shift_right_logical3A_231 : vector<16xi32>
        %xor3A_233 = arith.xori %or3A_232, %add3A_225 : vector<16xi32>
        %add3A_234 = arith.addi %add3A_225, %xor3A_233 : vector<16xi32>
        %shift_left3A_235 = arith.constant 6 : i32
        %shift_left3A_236 = vector.broadcast %shift_left3A_235 : i32 to vector<16xi32>
        %shift_left3A_237 = arith.shli %xor3A_233, %shift_left3A_236 : vector<16xi32>
        %shift_right_logical3A_238 = arith.constant 26 : i32
        %shift_right_logical3A_239 = vector.broadcast %shift_right_logical3A_238 : i32 to vector<16xi32>
        %shift_right_logical3A_240 = arith.shrui %xor3A_233, %shift_right_logical3A_239 : vector<16xi32>
        %or3A_241 = arith.ori %shift_left3A_237, %shift_right_logical3A_240 : vector<16xi32>
        %xor3A_242 = arith.xori %or3A_241, %add3A_234 : vector<16xi32>
        %add3A_243 = arith.constant 466689008 : i32
        %add3A_244 = vector.broadcast %add3A_243 : i32 to vector<16xi32>
        %add3A_245 = arith.addi %add3A_234, %add3A_244 : vector<16xi32>
        %add3A_246 = arith.constant 5 : i32
        %add3A_247 = vector.broadcast %add3A_246 : i32 to vector<16xi32>
        %add3A_248 = arith.addi %xor3A_242, %add3A_247 : vector<16xi32>
        %xor3A_249 = arith.xori %add3A_245, %add3A_248 : vector<16xi32>
        %mul3A_250 = arith.constant 16 : i32
        %mul3A_251 = arith.muli %add3A_28, %mul3A_250 : i32
        %swap3A = arith.index_cast %mul3A_251 : i32 to index
        %swap3A_252 = tpu.vector_load %arg3[%swap3A] {strides = array<i32>} : memref<8192xi32, #tpu.memory_space<vmem>>, vector<16xi32>,
        %swap3A_253 = vector.shape_cast %swap3A_252 : vector<16xi32> to vector<16xi32>
        %swap3A_254 = vector.shape_cast %xor3A_249 : vector<16xi32> to vector<16xi32>
        tpu.vector_store %arg3[%swap3A], %swap3A_254 {strides = array<i32>} : memref<8192xi32, #tpu.memory_space<vmem>>, vector<16xi32>,
        %mul3A_255 = arith.constant 4 : i32
        %mul3A_256 = arith.muli %scan3A_24, %mul3A_255 : i32
        %add3A_257 = arith.constant 1 : i32
        %add3A_258 = arith.addi %mul3A_256, %add3A_257 : i32
        %shift_right_arithmetic3A_259 = arith.constant 6 : i32
        %shift_right_arithmetic3A_260 = arith.shrsi %add3A_258, %shift_right_arithmetic3A_259 : i32
        %and3A_261 = arith.constant 63 : i32
        %and3A_262 = arith.andi %add3A_258, %and3A_261 : i32
        %shift_left3A_263 = arith.constant 4 : i32
        %shift_left3A_264 = arith.shli %and3A_262, %shift_left3A_263 : i32
        %mul3A_265 = arith.constant 8 : i32
        %mul3A_266 = arith.muli %scan3A_10, %mul3A_265 : i32
        %add3A_267 = arith.addi %add3A_4, %mul3A_266 : i32
        %add3A_268 = arith.addi %add3A_267, %shift_right_arithmetic3A_260 : i32
        %mul3A_269 = arith.constant 1000 : i32
        %mul3A_270 = arith.muli %add3A_268, %mul3A_269 : i32
        %add3A_271 = arith.addi %mul3A_270, %shift_left3A_264 : i32
        %add3A_272 = arith.constant 42 : i32
        %add3A_273 = arith.addi %add3A_271, %add3A_272 : i32
        %add3A_274 = vector.broadcast %add3A_273 : i32 to vector<16xi32>
        %add3A_275 = arith.addi %iota3A, %add3A_274 : vector<16xi32>
        %shift_left3A_276 = arith.constant 13 : i32
        %shift_left3A_277 = vector.broadcast %shift_left3A_276 : i32 to vector<16xi32>
        %shift_left3A_278 = arith.shli %add3A_275, %shift_left3A_277 : vector<16xi32>
        %shift_right_logical3A_279 = arith.constant 19 : i32
        %shift_right_logical3A_280 = vector.broadcast %shift_right_logical3A_279 : i32 to vector<16xi32>
        %shift_right_logical3A_281 = arith.shrui %add3A_275, %shift_right_logical3A_280 : vector<16xi32>
        %or3A_282 = arith.ori %shift_left3A_278, %shift_right_logical3A_281 : vector<16xi32>
        %xor3A_283 = arith.xori %or3A_282, %add3A_275 : vector<16xi32>
        %add3A_284 = arith.addi %add3A_275, %xor3A_283 : vector<16xi32>
        %shift_left3A_285 = arith.constant 15 : i32
        %shift_left3A_286 = vector.broadcast %shift_left3A_285 : i32 to vector<16xi32>
        %shift_left3A_287 = arith.shli %xor3A_283, %shift_left3A_286 : vector<16xi32>
        %shift_right_logical3A_288 = arith.constant 17 : i32
        %shift_right_logical3A_289 = vector.broadcast %shift_right_logical3A_288 : i32 to vector<16xi32>
        %shift_right_logical3A_290 = arith.shrui %xor3A_283, %shift_right_logical3A_289 : vector<16xi32>
        %or3A_291 = arith.ori %shift_left3A_287, %shift_right_logical3A_290 : vector<16xi32>
        %xor3A_292 = arith.xori %or3A_291, %add3A_284 : vector<16xi32>
        %add3A_293 = arith.addi %add3A_284, %xor3A_292 : vector<16xi32>
        %shift_left3A_294 = arith.constant 26 : i32
        %shift_left3A_295 = vector.broadcast %shift_left3A_294 : i32 to vector<16xi32>
        %shift_left3A_296 = arith.shli %xor3A_292, %shift_left3A_295 : vector<16xi32>
        %shift_right_logical3A_297 = arith.constant 6 : i32
        %shift_right_logical3A_298 = vector.broadcast %shift_right_logical3A_297 : i32 to vector<16xi32>
        %shift_right_logical3A_299 = arith.shrui %xor3A_292, %shift_right_logical3A_298 : vector<16xi32>
        %or3A_300 = arith.ori %shift_left3A_296, %shift_right_logical3A_299 : vector<16xi32>
        %xor3A_301 = arith.xori %or3A_300, %add3A_293 : vector<16xi32>
        %add3A_302 = arith.addi %add3A_293, %xor3A_301 : vector<16xi32>
        %shift_left3A_303 = arith.constant 6 : i32
        %shift_left3A_304 = vector.broadcast %shift_left3A_303 : i32 to vector<16xi32>
        %shift_left3A_305 = arith.shli %xor3A_301, %shift_left3A_304 : vector<16xi32>
        %shift_right_logical3A_306 = arith.constant 26 : i32
        %shift_right_logical3A_307 = vector.broadcast %shift_right_logical3A_306 : i32 to vector<16xi32>
        %shift_right_logical3A_308 = arith.shrui %xor3A_301, %shift_right_logical3A_307 : vector<16xi32>
        %or3A_309 = arith.ori %shift_left3A_305, %shift_right_logical3A_308 : vector<16xi32>
        %xor3A_310 = arith.xori %or3A_309, %add3A_302 : vector<16xi32>
        %add3A_311 = arith.constant 42 : i32
        %add3A_312 = vector.broadcast %add3A_311 : i32 to vector<16xi32>
        %add3A_313 = arith.addi %add3A_302, %add3A_312 : vector<16xi32>
        %add3A_314 = arith.constant 466689009 : i32
        %add3A_315 = vector.broadcast %add3A_314 : i32 to vector<16xi32>
        %add3A_316 = arith.addi %xor3A_310, %add3A_315 : vector<16xi32>
        %add3A_317 = arith.addi %add3A_313, %add3A_316 : vector<16xi32>
        %shift_left3A_318 = arith.constant 17 : i32
        %shift_left3A_319 = vector.broadcast %shift_left3A_318 : i32 to vector<16xi32>
        %shift_left3A_320 = arith.shli %add3A_316, %shift_left3A_319 : vector<16xi32>
        %shift_right_logical3A_321 = arith.constant 15 : i32
        %shift_right_logical3A_322 = vector.broadcast %shift_right_logical3A_321 : i32 to vector<16xi32>
        %shift_right_logical3A_323 = arith.shrui %add3A_316, %shift_right_logical3A_322 : vector<16xi32>
        %or3A_324 = arith.ori %shift_left3A_320, %shift_right_logical3A_323 : vector<16xi32>
        %xor3A_325 = arith.xori %or3A_324, %add3A_317 : vector<16xi32>
        %add3A_326 = arith.addi %add3A_317, %xor3A_325 : vector<16xi32>
        %shift_left3A_327 = arith.constant 29 : i32
        %shift_left3A_328 = vector.broadcast %shift_left3A_327 : i32 to vector<16xi32>
        %shift_left3A_329 = arith.shli %xor3A_325, %shift_left3A_328 : vector<16xi32>
        %shift_right_logical3A_330 = arith.constant 3 : i32
        %shift_right_logical3A_331 = vector.broadcast %shift_right_logical3A_330 : i32 to vector<16xi32>
        %shift_right_logical3A_332 = arith.shrui %xor3A_325, %shift_right_logical3A_331 : vector<16xi32>
        %or3A_333 = arith.ori %shift_left3A_329, %shift_right_logical3A_332 : vector<16xi32>
        %xor3A_334 = arith.xori %or3A_333, %add3A_326 : vector<16xi32>
        %add3A_335 = arith.addi %add3A_326, %xor3A_334 : vector<16xi32>
        %shift_left3A_336 = arith.constant 16 : i32
        %shift_left3A_337 = vector.broadcast %shift_left3A_336 : i32 to vector<16xi32>
        %shift_left3A_338 = arith.shli %xor3A_334, %shift_left3A_337 : vector<16xi32>
        %shift_right_logical3A_339 = arith.constant 16 : i32
        %shift_right_logical3A_340 = vector.broadcast %shift_right_logical3A_339 : i32 to vector<16xi32>
        %shift_right_logical3A_341 = arith.shrui %xor3A_334, %shift_right_logical3A_340 : vector<16xi32>
        %or3A_342 = arith.ori %shift_left3A_338, %shift_right_logical3A_341 : vector<16xi32>
        %xor3A_343 = arith.xori %or3A_342, %add3A_335 : vector<16xi32>
        %add3A_344 = arith.addi %add3A_335, %xor3A_343 : vector<16xi32>
        %shift_left3A_345 = arith.constant 24 : i32
        %shift_left3A_346 = vector.broadcast %shift_left3A_345 : i32 to vector<16xi32>
        %shift_left3A_347 = arith.shli %xor3A_343, %shift_left3A_346 : vector<16xi32>
        %shift_right_logical3A_348 = arith.constant 8 : i32
        %shift_right_logical3A_349 = vector.broadcast %shift_right_logical3A_348 : i32 to vector<16xi32>
        %shift_right_logical3A_350 = arith.shrui %xor3A_343, %shift_right_logical3A_349 : vector<16xi32>
        %or3A_351 = arith.ori %shift_left3A_347, %shift_right_logical3A_350 : vector<16xi32>
        %xor3A_352 = arith.xori %or3A_351, %add3A_344 : vector<16xi32>
        %add3A_353 = arith.constant 466689008 : i32
        %add3A_354 = vector.broadcast %add3A_353 : i32 to vector<16xi32>
        %add3A_355 = arith.addi %add3A_344, %add3A_354 : vector<16xi32>
        %add3A_356 = arith.constant 2 : i32
        %add3A_357 = vector.broadcast %add3A_356 : i32 to vector<16xi32>
        %add3A_358 = arith.addi %xor3A_352, %add3A_357 : vector<16xi32>
        %add3A_359 = arith.addi %add3A_355, %add3A_358 : vector<16xi32>
        %shift_left3A_360 = arith.constant 13 : i32
        %shift_left3A_361 = vector.broadcast %shift_left3A_360 : i32 to vector<16xi32>
        %shift_left3A_362 = arith.shli %add3A_358, %shift_left3A_361 : vector<16xi32>
        %shift_right_logical3A_363 = arith.constant 19 : i32
        %shift_right_logical3A_364 = vector.broadcast %shift_right_logical3A_363 : i32 to vector<16xi32>
        %shift_right_logical3A_365 = arith.shrui %add3A_358, %shift_right_logical3A_364 : vector<16xi32>
        %or3A_366 = arith.ori %shift_left3A_362, %shift_right_logical3A_365 : vector<16xi32>
        %xor3A_367 = arith.xori %or3A_366, %add3A_359 : vector<16xi32>
        %add3A_368 = arith.addi %add3A_359, %xor3A_367 : vector<16xi32>
        %shift_left3A_369 = arith.constant 15 : i32
        %shift_left3A_370 = vector.broadcast %shift_left3A_369 : i32 to vector<16xi32>
        %shift_left3A_371 = arith.shli %xor3A_367, %shift_left3A_370 : vector<16xi32>
        %shift_right_logical3A_372 = arith.constant 17 : i32
        %shift_right_logical3A_373 = vector.broadcast %shift_right_logical3A_372 : i32 to vector<16xi32>
        %shift_right_logical3A_374 = arith.shrui %xor3A_367, %shift_right_logical3A_373 : vector<16xi32>
        %or3A_375 = arith.ori %shift_left3A_371, %shift_right_logical3A_374 : vector<16xi32>
        %xor3A_376 = arith.xori %or3A_375, %add3A_368 : vector<16xi32>
        %add3A_377 = arith.addi %add3A_368, %xor3A_376 : vector<16xi32>
        %shift_left3A_378 = arith.constant 26 : i32
        %shift_left3A_379 = vector.broadcast %shift_left3A_378 : i32 to vector<16xi32>
        %shift_left3A_380 = arith.shli %xor3A_376, %shift_left3A_379 : vector<16xi32>
        %shift_right_logical3A_381 = arith.constant 6 : i32
        %shift_right_logical3A_382 = vector.broadcast %shift_right_logical3A_381 : i32 to vector<16xi32>
        %shift_right_logical3A_383 = arith.shrui %xor3A_376, %shift_right_logical3A_382 : vector<16xi32>
        %or3A_384 = arith.ori %shift_left3A_380, %shift_right_logical3A_383 : vector<16xi32>
        %xor3A_385 = arith.xori %or3A_384, %add3A_377 : vector<16xi32>
        %add3A_386 = arith.addi %add3A_377, %xor3A_385 : vector<16xi32>
        %shift_left3A_387 = arith.constant 6 : i32
        %shift_left3A_388 = vector.broadcast %shift_left3A_387 : i32 to vector<16xi32>
        %shift_left3A_389 = arith.shli %xor3A_385, %shift_left3A_388 : vector<16xi32>
        %shift_right_logical3A_390 = arith.constant 26 : i32
        %shift_right_logical3A_391 = vector.broadcast %shift_right_logical3A_390 : i32 to vector<16xi32>
        %shift_right_logical3A_392 = arith.shrui %xor3A_385, %shift_right_logical3A_391 : vector<16xi32>
        %or3A_393 = arith.ori %shift_left3A_389, %shift_right_logical3A_392 : vector<16xi32>
        %xor3A_394 = arith.xori %or3A_393, %add3A_386 : vector<16xi32>
        %add3A_395 = arith.constant 0 : i32
        %add3A_396 = vector.broadcast %add3A_395 : i32 to vector<16xi32>
        %add3A_397 = arith.addi %add3A_386, %add3A_396 : vector<16xi32>
        %add3A_398 = arith.constant 45 : i32
        %add3A_399 = vector.broadcast %add3A_398 : i32 to vector<16xi32>
        %add3A_400 = arith.addi %xor3A_394, %add3A_399 : vector<16xi32>
        %add3A_401 = arith.addi %add3A_397, %add3A_400 : vector<16xi32>
        %shift_left3A_402 = arith.constant 17 : i32
        %shift_left3A_403 = vector.broadcast %shift_left3A_402 : i32 to vector<16xi32>
        %shift_left3A_404 = arith.shli %add3A_400, %shift_left3A_403 : vector<16xi32>
        %shift_right_logical3A_405 = arith.constant 15 : i32
        %shift_right_logical3A_406 = vector.broadcast %shift_right_logical3A_405 : i32 to vector<16xi32>
        %shift_right_logical3A_407 = arith.shrui %add3A_400, %shift_right_logical3A_406 : vector<16xi32>
        %or3A_408 = arith.ori %shift_left3A_404, %shift_right_logical3A_407 : vector<16xi32>
        %xor3A_409 = arith.xori %or3A_408, %add3A_401 : vector<16xi32>
        %add3A_410 = arith.addi %add3A_401, %xor3A_409 : vector<16xi32>
        %shift_left3A_411 = arith.constant 29 : i32
        %shift_left3A_412 = vector.broadcast %shift_left3A_411 : i32 to vector<16xi32>
        %shift_left3A_413 = arith.shli %xor3A_409, %shift_left3A_412 : vector<16xi32>
        %shift_right_logical3A_414 = arith.constant 3 : i32
        %shift_right_logical3A_415 = vector.broadcast %shift_right_logical3A_414 : i32 to vector<16xi32>
        %shift_right_logical3A_416 = arith.shrui %xor3A_409, %shift_right_logical3A_415 : vector<16xi32>
        %or3A_417 = arith.ori %shift_left3A_413, %shift_right_logical3A_416 : vector<16xi32>
        %xor3A_418 = arith.xori %or3A_417, %add3A_410 : vector<16xi32>
        %add3A_419 = arith.addi %add3A_410, %xor3A_418 : vector<16xi32>
        %shift_left3A_420 = arith.constant 16 : i32
        %shift_left3A_421 = vector.broadcast %shift_left3A_420 : i32 to vector<16xi32>
        %shift_left3A_422 = arith.shli %xor3A_418, %shift_left3A_421 : vector<16xi32>
        %shift_right_logical3A_423 = arith.constant 16 : i32
        %shift_right_logical3A_424 = vector.broadcast %shift_right_logical3A_423 : i32 to vector<16xi32>
        %shift_right_logical3A_425 = arith.shrui %xor3A_418, %shift_right_logical3A_424 : vector<16xi32>
        %or3A_426 = arith.ori %shift_left3A_422, %shift_right_logical3A_425 : vector<16xi32>
        %xor3A_427 = arith.xori %or3A_426, %add3A_419 : vector<16xi32>
        %add3A_428 = arith.addi %add3A_419, %xor3A_427 : vector<16xi32>
        %shift_left3A_429 = arith.constant 24 : i32
        %shift_left3A_430 = vector.broadcast %shift_left3A_429 : i32 to vector<16xi32>
        %shift_left3A_431 = arith.shli %xor3A_427, %shift_left3A_430 : vector<16xi32>
        %shift_right_logical3A_432 = arith.constant 8 : i32
        %shift_right_logical3A_433 = vector.broadcast %shift_right_logical3A_432 : i32 to vector<16xi32>
        %shift_right_logical3A_434 = arith.shrui %xor3A_427, %shift_right_logical3A_433 : vector<16xi32>
        %or3A_435 = arith.ori %shift_left3A_431, %shift_right_logical3A_434 : vector<16xi32>
        %xor3A_436 = arith.xori %or3A_435, %add3A_428 : vector<16xi32>
        %add3A_437 = arith.constant 42 : i32
        %add3A_438 = vector.broadcast %add3A_437 : i32 to vector<16xi32>
        %add3A_439 = arith.addi %add3A_428, %add3A_438 : vector<16xi32>
        %add3A_440 = arith.constant 466689012 : i32
        %add3A_441 = vector.broadcast %add3A_440 : i32 to vector<16xi32>
        %add3A_442 = arith.addi %xor3A_436, %add3A_441 : vector<16xi32>
        %add3A_443 = arith.addi %add3A_439, %add3A_442 : vector<16xi32>
        %shift_left3A_444 = arith.constant 13 : i32
        %shift_left3A_445 = vector.broadcast %shift_left3A_444 : i32 to vector<16xi32>
        %shift_left3A_446 = arith.shli %add3A_442, %shift_left3A_445 : vector<16xi32>
        %shift_right_logical3A_447 = arith.constant 19 : i32
        %shift_right_logical3A_448 = vector.broadcast %shift_right_logical3A_447 : i32 to vector<16xi32>
        %shift_right_logical3A_449 = arith.shrui %add3A_442, %shift_right_logical3A_448 : vector<16xi32>
        %or3A_450 = arith.ori %shift_left3A_446, %shift_right_logical3A_449 : vector<16xi32>
        %xor3A_451 = arith.xori %or3A_450, %add3A_443 : vector<16xi32>
        %add3A_452 = arith.addi %add3A_443, %xor3A_451 : vector<16xi32>
        %shift_left3A_453 = arith.constant 15 : i32
        %shift_left3A_454 = vector.broadcast %shift_left3A_453 : i32 to vector<16xi32>
        %shift_left3A_455 = arith.shli %xor3A_451, %shift_left3A_454 : vector<16xi32>
        %shift_right_logical3A_456 = arith.constant 17 : i32
        %shift_right_logical3A_457 = vector.broadcast %shift_right_logical3A_456 : i32 to vector<16xi32>
        %shift_right_logical3A_458 = arith.shrui %xor3A_451, %shift_right_logical3A_457 : vector<16xi32>
        %or3A_459 = arith.ori %shift_left3A_455, %shift_right_logical3A_458 : vector<16xi32>
        %xor3A_460 = arith.xori %or3A_459, %add3A_452 : vector<16xi32>
        %add3A_461 = arith.addi %add3A_452, %xor3A_460 : vector<16xi32>
        %shift_left3A_462 = arith.constant 26 : i32
        %shift_left3A_463 = vector.broadcast %shift_left3A_462 : i32 to vector<16xi32>
        %shift_left3A_464 = arith.shli %xor3A_460, %shift_left3A_463 : vector<16xi32>
        %shift_right_logical3A_465 = arith.constant 6 : i32
        %shift_right_logical3A_466 = vector.broadcast %shift_right_logical3A_465 : i32 to vector<16xi32>
        %shift_right_logical3A_467 = arith.shrui %xor3A_460, %shift_right_logical3A_466 : vector<16xi32>
        %or3A_468 = arith.ori %shift_left3A_464, %shift_right_logical3A_467 : vector<16xi32>
        %xor3A_469 = arith.xori %or3A_468, %add3A_461 : vector<16xi32>
        %add3A_470 = arith.addi %add3A_461, %xor3A_469 : vector<16xi32>
        %shift_left3A_471 = arith.constant 6 : i32
        %shift_left3A_472 = vector.broadcast %shift_left3A_471 : i32 to vector<16xi32>
        %shift_left3A_473 = arith.shli %xor3A_469, %shift_left3A_472 : vector<16xi32>
        %shift_right_logical3A_474 = arith.constant 26 : i32
        %shift_right_logical3A_475 = vector.broadcast %shift_right_logical3A_474 : i32 to vector<16xi32>
        %shift_right_logical3A_476 = arith.shrui %xor3A_469, %shift_right_logical3A_475 : vector<16xi32>
        %or3A_477 = arith.ori %shift_left3A_473, %shift_right_logical3A_476 : vector<16xi32>
        %xor3A_478 = arith.xori %or3A_477, %add3A_470 : vector<16xi32>
        %add3A_479 = arith.constant 466689008 : i32
        %add3A_480 = vector.broadcast %add3A_479 : i32 to vector<16xi32>
        %add3A_481 = arith.addi %add3A_470, %add3A_480 : vector<16xi32>
        %add3A_482 = arith.constant 5 : i32
        %add3A_483 = vector.broadcast %add3A_482 : i32 to vector<16xi32>
        %add3A_484 = arith.addi %xor3A_478, %add3A_483 : vector<16xi32>
        %xor3A_485 = arith.xori %add3A_481, %add3A_484 : vector<16xi32>
        %mul3A_486 = arith.constant 16 : i32
        %mul3A_487 = arith.muli %add3A_258, %mul3A_486 : i32
        %swap3A_488 = arith.index_cast %mul3A_487 : i32 to index
        %swap3A_489 = tpu.vector_load %arg3[%swap3A_488] {strides = array<i32>} : memref<8192xi32, #tpu.memory_space<vmem>>, vector<16xi32>,
        %swap3A_490 = vector.shape_cast %swap3A_489 : vector<16xi32> to vector<16xi32>
        %swap3A_491 = vector.shape_cast %xor3A_485 : vector<16xi32> to vector<16xi32>
        tpu.vector_store %arg3[%swap3A_488], %swap3A_491 {strides = array<i32>} : memref<8192xi32, #tpu.memory_space<vmem>>, vector<16xi32>,
        %mul3A_492 = arith.constant 4 : i32
        %mul3A_493 = arith.muli %scan3A_24, %mul3A_492 : i32
        %add3A_494 = arith.constant 2 : i32
        %add3A_495 = arith.addi %mul3A_493, %add3A_494 : i32
        %shift_right_arithmetic3A_496 = arith.constant 6 : i32
        %shift_right_arithmetic3A_497 = arith.shrsi %add3A_495, %shift_right_arithmetic3A_496 : i32
        %and3A_498 = arith.constant 63 : i32
        %and3A_499 = arith.andi %add3A_495, %and3A_498 : i32
        %shift_left3A_500 = arith.constant 4 : i32
        %shift_left3A_501 = arith.shli %and3A_499, %shift_left3A_500 : i32
        %mul3A_502 = arith.constant 8 : i32
        %mul3A_503 = arith.muli %scan3A_10, %mul3A_502 : i32
        %add3A_504 = arith.addi %add3A_4, %mul3A_503 : i32
        %add3A_505 = arith.addi %add3A_504, %shift_right_arithmetic3A_497 : i32
        %mul3A_506 = arith.constant 1000 : i32
        %mul3A_507 = arith.muli %add3A_505, %mul3A_506 : i32
        %add3A_508 = arith.addi %mul3A_507, %shift_left3A_501 : i32
        %add3A_509 = arith.constant 42 : i32
        %add3A_510 = arith.addi %add3A_508, %add3A_509 : i32
        %add3A_511 = vector.broadcast %add3A_510 : i32 to vector<16xi32>
        %add3A_512 = arith.addi %iota3A, %add3A_511 : vector<16xi32>
        %shift_left3A_513 = arith.constant 13 : i32
        %shift_left3A_514 = vector.broadcast %shift_left3A_513 : i32 to vector<16xi32>
        %shift_left3A_515 = arith.shli %add3A_512, %shift_left3A_514 : vector<16xi32>
        %shift_right_logical3A_516 = arith.constant 19 : i32
        %shift_right_logical3A_517 = vector.broadcast %shift_right_logical3A_516 : i32 to vector<16xi32>
        %shift_right_logical3A_518 = arith.shrui %add3A_512, %shift_right_logical3A_517 : vector<16xi32>
        %or3A_519 = arith.ori %shift_left3A_515, %shift_right_logical3A_518 : vector<16xi32>
        %xor3A_520 = arith.xori %or3A_519, %add3A_512 : vector<16xi32>
        %add3A_521 = arith.addi %add3A_512, %xor3A_520 : vector<16xi32>
        %shift_left3A_522 = arith.constant 15 : i32
        %shift_left3A_523 = vector.broadcast %shift_left3A_522 : i32 to vector<16xi32>
        %shift_left3A_524 = arith.shli %xor3A_520, %shift_left3A_523 : vector<16xi32>
        %shift_right_logical3A_525 = arith.constant 17 : i32
        %shift_right_logical3A_526 = vector.broadcast %shift_right_logical3A_525 : i32 to vector<16xi32>
        %shift_right_logical3A_527 = arith.shrui %xor3A_520, %shift_right_logical3A_526 : vector<16xi32>
        %or3A_528 = arith.ori %shift_left3A_524, %shift_right_logical3A_527 : vector<16xi32>
        %xor3A_529 = arith.xori %or3A_528, %add3A_521 : vector<16xi32>
        %add3A_530 = arith.addi %add3A_521, %xor3A_529 : vector<16xi32>
        %shift_left3A_531 = arith.constant 26 : i32
        %shift_left3A_532 = vector.broadcast %shift_left3A_531 : i32 to vector<16xi32>
        %shift_left3A_533 = arith.shli %xor3A_529, %shift_left3A_532 : vector<16xi32>
        %shift_right_logical3A_534 = arith.constant 6 : i32
        %shift_right_logical3A_535 = vector.broadcast %shift_right_logical3A_534 : i32 to vector<16xi32>
        %shift_right_logical3A_536 = arith.shrui %xor3A_529, %shift_right_logical3A_535 : vector<16xi32>
        %or3A_537 = arith.ori %shift_left3A_533, %shift_right_logical3A_536 : vector<16xi32>
        %xor3A_538 = arith.xori %or3A_537, %add3A_530 : vector<16xi32>
        %add3A_539 = arith.addi %add3A_530, %xor3A_538 : vector<16xi32>
        %shift_left3A_540 = arith.constant 6 : i32
        %shift_left3A_541 = vector.broadcast %shift_left3A_540 : i32 to vector<16xi32>
        %shift_left3A_542 = arith.shli %xor3A_538, %shift_left3A_541 : vector<16xi32>
        %shift_right_logical3A_543 = arith.constant 26 : i32
        %shift_right_logical3A_544 = vector.broadcast %shift_right_logical3A_543 : i32 to vector<16xi32>
        %shift_right_logical3A_545 = arith.shrui %xor3A_538, %shift_right_logical3A_544 : vector<16xi32>
        %or3A_546 = arith.ori %shift_left3A_542, %shift_right_logical3A_545 : vector<16xi32>
        %xor3A_547 = arith.xori %or3A_546, %add3A_539 : vector<16xi32>
        %add3A_548 = arith.constant 42 : i32
        %add3A_549 = vector.broadcast %add3A_548 : i32 to vector<16xi32>
        %add3A_550 = arith.addi %add3A_539, %add3A_549 : vector<16xi32>
        %add3A_551 = arith.constant 466689009 : i32
        %add3A_552 = vector.broadcast %add3A_551 : i32 to vector<16xi32>
        %add3A_553 = arith.addi %xor3A_547, %add3A_552 : vector<16xi32>
        %add3A_554 = arith.addi %add3A_550, %add3A_553 : vector<16xi32>
        %shift_left3A_555 = arith.constant 17 : i32
        %shift_left3A_556 = vector.broadcast %shift_left3A_555 : i32 to vector<16xi32>
        %shift_left3A_557 = arith.shli %add3A_553, %shift_left3A_556 : vector<16xi32>
        %shift_right_logical3A_558 = arith.constant 15 : i32
        %shift_right_logical3A_559 = vector.broadcast %shift_right_logical3A_558 : i32 to vector<16xi32>
        %shift_right_logical3A_560 = arith.shrui %add3A_553, %shift_right_logical3A_559 : vector<16xi32>
        %or3A_561 = arith.ori %shift_left3A_557, %shift_right_logical3A_560 : vector<16xi32>
        %xor3A_562 = arith.xori %or3A_561, %add3A_554 : vector<16xi32>
        %add3A_563 = arith.addi %add3A_554, %xor3A_562 : vector<16xi32>
        %shift_left3A_564 = arith.constant 29 : i32
        %shift_left3A_565 = vector.broadcast %shift_left3A_564 : i32 to vector<16xi32>
        %shift_left3A_566 = arith.shli %xor3A_562, %shift_left3A_565 : vector<16xi32>
        %shift_right_logical3A_567 = arith.constant 3 : i32
        %shift_right_logical3A_568 = vector.broadcast %shift_right_logical3A_567 : i32 to vector<16xi32>
        %shift_right_logical3A_569 = arith.shrui %xor3A_562, %shift_right_logical3A_568 : vector<16xi32>
        %or3A_570 = arith.ori %shift_left3A_566, %shift_right_logical3A_569 : vector<16xi32>
        %xor3A_571 = arith.xori %or3A_570, %add3A_563 : vector<16xi32>
        %add3A_572 = arith.addi %add3A_563, %xor3A_571 : vector<16xi32>
        %shift_left3A_573 = arith.constant 16 : i32
        %shift_left3A_574 = vector.broadcast %shift_left3A_573 : i32 to vector<16xi32>
        %shift_left3A_575 = arith.shli %xor3A_571, %shift_left3A_574 : vector<16xi32>
        %shift_right_logical3A_576 = arith.constant 16 : i32
        %shift_right_logical3A_577 = vector.broadcast %shift_right_logical3A_576 : i32 to vector<16xi32>
        %shift_right_logical3A_578 = arith.shrui %xor3A_571, %shift_right_logical3A_577 : vector<16xi32>
        %or3A_579 = arith.ori %shift_left3A_575, %shift_right_logical3A_578 : vector<16xi32>
        %xor3A_580 = arith.xori %or3A_579, %add3A_572 : vector<16xi32>
        %add3A_581 = arith.addi %add3A_572, %xor3A_580 : vector<16xi32>
        %shift_left3A_582 = arith.constant 24 : i32
        %shift_left3A_583 = vector.broadcast %shift_left3A_582 : i32 to vector<16xi32>
        %shift_left3A_584 = arith.shli %xor3A_580, %shift_left3A_583 : vector<16xi32>
        %shift_right_logical3A_585 = arith.constant 8 : i32
        %shift_right_logical3A_586 = vector.broadcast %shift_right_logical3A_585 : i32 to vector<16xi32>
        %shift_right_logical3A_587 = arith.shrui %xor3A_580, %shift_right_logical3A_586 : vector<16xi32>
        %or3A_588 = arith.ori %shift_left3A_584, %shift_right_logical3A_587 : vector<16xi32>
        %xor3A_589 = arith.xori %or3A_588, %add3A_581 : vector<16xi32>
        %add3A_590 = arith.constant 466689008 : i32
        %add3A_591 = vector.broadcast %add3A_590 : i32 to vector<16xi32>
        %add3A_592 = arith.addi %add3A_581, %add3A_591 : vector<16xi32>
        %add3A_593 = arith.constant 2 : i32
        %add3A_594 = vector.broadcast %add3A_593 : i32 to vector<16xi32>
        %add3A_595 = arith.addi %xor3A_589, %add3A_594 : vector<16xi32>
        %add3A_596 = arith.addi %add3A_592, %add3A_595 : vector<16xi32>
        %shift_left3A_597 = arith.constant 13 : i32
        %shift_left3A_598 = vector.broadcast %shift_left3A_597 : i32 to vector<16xi32>
        %shift_left3A_599 = arith.shli %add3A_595, %shift_left3A_598 : vector<16xi32>
        %shift_right_logical3A_600 = arith.constant 19 : i32
        %shift_right_logical3A_601 = vector.broadcast %shift_right_logical3A_600 : i32 to vector<16xi32>
        %shift_right_logical3A_602 = arith.shrui %add3A_595, %shift_right_logical3A_601 : vector<16xi32>
        %or3A_603 = arith.ori %shift_left3A_599, %shift_right_logical3A_602 : vector<16xi32>
        %xor3A_604 = arith.xori %or3A_603, %add3A_596 : vector<16xi32>
        %add3A_605 = arith.addi %add3A_596, %xor3A_604 : vector<16xi32>
        %shift_left3A_606 = arith.constant 15 : i32
        %shift_left3A_607 = vector.broadcast %shift_left3A_606 : i32 to vector<16xi32>
        %shift_left3A_608 = arith.shli %xor3A_604, %shift_left3A_607 : vector<16xi32>
        %shift_right_logical3A_609 = arith.constant 17 : i32
        %shift_right_logical3A_610 = vector.broadcast %shift_right_logical3A_609 : i32 to vector<16xi32>
        %shift_right_logical3A_611 = arith.shrui %xor3A_604, %shift_right_logical3A_610 : vector<16xi32>
        %or3A_612 = arith.ori %shift_left3A_608, %shift_right_logical3A_611 : vector<16xi32>
        %xor3A_613 = arith.xori %or3A_612, %add3A_605 : vector<16xi32>
        %add3A_614 = arith.addi %add3A_605, %xor3A_613 : vector<16xi32>
        %shift_left3A_615 = arith.constant 26 : i32
        %shift_left3A_616 = vector.broadcast %shift_left3A_615 : i32 to vector<16xi32>
        %shift_left3A_617 = arith.shli %xor3A_613, %shift_left3A_616 : vector<16xi32>
        %shift_right_logical3A_618 = arith.constant 6 : i32
        %shift_right_logical3A_619 = vector.broadcast %shift_right_logical3A_618 : i32 to vector<16xi32>
        %shift_right_logical3A_620 = arith.shrui %xor3A_613, %shift_right_logical3A_619 : vector<16xi32>
        %or3A_621 = arith.ori %shift_left3A_617, %shift_right_logical3A_620 : vector<16xi32>
        %xor3A_622 = arith.xori %or3A_621, %add3A_614 : vector<16xi32>
        %add3A_623 = arith.addi %add3A_614, %xor3A_622 : vector<16xi32>
        %shift_left3A_624 = arith.constant 6 : i32
        %shift_left3A_625 = vector.broadcast %shift_left3A_624 : i32 to vector<16xi32>
        %shift_left3A_626 = arith.shli %xor3A_622, %shift_left3A_625 : vector<16xi32>
        %shift_right_logical3A_627 = arith.constant 26 : i32
        %shift_right_logical3A_628 = vector.broadcast %shift_right_logical3A_627 : i32 to vector<16xi32>
        %shift_right_logical3A_629 = arith.shrui %xor3A_622, %shift_right_logical3A_628 : vector<16xi32>
        %or3A_630 = arith.ori %shift_left3A_626, %shift_right_logical3A_629 : vector<16xi32>
        %xor3A_631 = arith.xori %or3A_630, %add3A_623 : vector<16xi32>
        %add3A_632 = arith.constant 0 : i32
        %add3A_633 = vector.broadcast %add3A_632 : i32 to vector<16xi32>
        %add3A_634 = arith.addi %add3A_623, %add3A_633 : vector<16xi32>
        %add3A_635 = arith.constant 45 : i32
        %add3A_636 = vector.broadcast %add3A_635 : i32 to vector<16xi32>
        %add3A_637 = arith.addi %xor3A_631, %add3A_636 : vector<16xi32>
        %add3A_638 = arith.addi %add3A_634, %add3A_637 : vector<16xi32>
        %shift_left3A_639 = arith.constant 17 : i32
        %shift_left3A_640 = vector.broadcast %shift_left3A_639 : i32 to vector<16xi32>
        %shift_left3A_641 = arith.shli %add3A_637, %shift_left3A_640 : vector<16xi32>
        %shift_right_logical3A_642 = arith.constant 15 : i32
        %shift_right_logical3A_643 = vector.broadcast %shift_right_logical3A_642 : i32 to vector<16xi32>
        %shift_right_logical3A_644 = arith.shrui %add3A_637, %shift_right_logical3A_643 : vector<16xi32>
        %or3A_645 = arith.ori %shift_left3A_641, %shift_right_logical3A_644 : vector<16xi32>
        %xor3A_646 = arith.xori %or3A_645, %add3A_638 : vector<16xi32>
        %add3A_647 = arith.addi %add3A_638, %xor3A_646 : vector<16xi32>
        %shift_left3A_648 = arith.constant 29 : i32
        %shift_left3A_649 = vector.broadcast %shift_left3A_648 : i32 to vector<16xi32>
        %shift_left3A_650 = arith.shli %xor3A_646, %shift_left3A_649 : vector<16xi32>
        %shift_right_logical3A_651 = arith.constant 3 : i32
        %shift_right_logical3A_652 = vector.broadcast %shift_right_logical3A_651 : i32 to vector<16xi32>
        %shift_right_logical3A_653 = arith.shrui %xor3A_646, %shift_right_logical3A_652 : vector<16xi32>
        %or3A_654 = arith.ori %shift_left3A_650, %shift_right_logical3A_653 : vector<16xi32>
        %xor3A_655 = arith.xori %or3A_654, %add3A_647 : vector<16xi32>
        %add3A_656 = arith.addi %add3A_647, %xor3A_655 : vector<16xi32>
        %shift_left3A_657 = arith.constant 16 : i32
        %shift_left3A_658 = vector.broadcast %shift_left3A_657 : i32 to vector<16xi32>
        %shift_left3A_659 = arith.shli %xor3A_655, %shift_left3A_658 : vector<16xi32>
        %shift_right_logical3A_660 = arith.constant 16 : i32
        %shift_right_logical3A_661 = vector.broadcast %shift_right_logical3A_660 : i32 to vector<16xi32>
        %shift_right_logical3A_662 = arith.shrui %xor3A_655, %shift_right_logical3A_661 : vector<16xi32>
        %or3A_663 = arith.ori %shift_left3A_659, %shift_right_logical3A_662 : vector<16xi32>
        %xor3A_664 = arith.xori %or3A_663, %add3A_656 : vector<16xi32>
        %add3A_665 = arith.addi %add3A_656, %xor3A_664 : vector<16xi32>
        %shift_left3A_666 = arith.constant 24 : i32
        %shift_left3A_667 = vector.broadcast %shift_left3A_666 : i32 to vector<16xi32>
        %shift_left3A_668 = arith.shli %xor3A_664, %shift_left3A_667 : vector<16xi32>
        %shift_right_logical3A_669 = arith.constant 8 : i32
        %shift_right_logical3A_670 = vector.broadcast %shift_right_logical3A_669 : i32 to vector<16xi32>
        %shift_right_logical3A_671 = arith.shrui %xor3A_664, %shift_right_logical3A_670 : vector<16xi32>
        %or3A_672 = arith.ori %shift_left3A_668, %shift_right_logical3A_671 : vector<16xi32>
        %xor3A_673 = arith.xori %or3A_672, %add3A_665 : vector<16xi32>
        %add3A_674 = arith.constant 42 : i32
        %add3A_675 = vector.broadcast %add3A_674 : i32 to vector<16xi32>
        %add3A_676 = arith.addi %add3A_665, %add3A_675 : vector<16xi32>
        %add3A_677 = arith.constant 466689012 : i32
        %add3A_678 = vector.broadcast %add3A_677 : i32 to vector<16xi32>
        %add3A_679 = arith.addi %xor3A_673, %add3A_678 : vector<16xi32>
        %add3A_680 = arith.addi %add3A_676, %add3A_679 : vector<16xi32>
        %shift_left3A_681 = arith.constant 13 : i32
        %shift_left3A_682 = vector.broadcast %shift_left3A_681 : i32 to vector<16xi32>
        %shift_left3A_683 = arith.shli %add3A_679, %shift_left3A_682 : vector<16xi32>
        %shift_right_logical3A_684 = arith.constant 19 : i32
        %shift_right_logical3A_685 = vector.broadcast %shift_right_logical3A_684 : i32 to vector<16xi32>
        %shift_right_logical3A_686 = arith.shrui %add3A_679, %shift_right_logical3A_685 : vector<16xi32>
        %or3A_687 = arith.ori %shift_left3A_683, %shift_right_logical3A_686 : vector<16xi32>
        %xor3A_688 = arith.xori %or3A_687, %add3A_680 : vector<16xi32>
        %add3A_689 = arith.addi %add3A_680, %xor3A_688 : vector<16xi32>
        %shift_left3A_690 = arith.constant 15 : i32
        %shift_left3A_691 = vector.broadcast %shift_left3A_690 : i32 to vector<16xi32>
        %shift_left3A_692 = arith.shli %xor3A_688, %shift_left3A_691 : vector<16xi32>
        %shift_right_logical3A_693 = arith.constant 17 : i32
        %shift_right_logical3A_694 = vector.broadcast %shift_right_logical3A_693 : i32 to vector<16xi32>
        %shift_right_logical3A_695 = arith.shrui %xor3A_688, %shift_right_logical3A_694 : vector<16xi32>
        %or3A_696 = arith.ori %shift_left3A_692, %shift_right_logical3A_695 : vector<16xi32>
        %xor3A_697 = arith.xori %or3A_696, %add3A_689 : vector<16xi32>
        %add3A_698 = arith.addi %add3A_689, %xor3A_697 : vector<16xi32>
        %shift_left3A_699 = arith.constant 26 : i32
        %shift_left3A_700 = vector.broadcast %shift_left3A_699 : i32 to vector<16xi32>
        %shift_left3A_701 = arith.shli %xor3A_697, %shift_left3A_700 : vector<16xi32>
        %shift_right_logical3A_702 = arith.constant 6 : i32
        %shift_right_logical3A_703 = vector.broadcast %shift_right_logical3A_702 : i32 to vector<16xi32>
        %shift_right_logical3A_704 = arith.shrui %xor3A_697, %shift_right_logical3A_703 : vector<16xi32>
        %or3A_705 = arith.ori %shift_left3A_701, %shift_right_logical3A_704 : vector<16xi32>
        %xor3A_706 = arith.xori %or3A_705, %add3A_698 : vector<16xi32>
        %add3A_707 = arith.addi %add3A_698, %xor3A_706 : vector<16xi32>
        %shift_left3A_708 = arith.constant 6 : i32
        %shift_left3A_709 = vector.broadcast %shift_left3A_708 : i32 to vector<16xi32>
        %shift_left3A_710 = arith.shli %xor3A_706, %shift_left3A_709 : vector<16xi32>
        %shift_right_logical3A_711 = arith.constant 26 : i32
        %shift_right_logical3A_712 = vector.broadcast %shift_right_logical3A_711 : i32 to vector<16xi32>
        %shift_right_logical3A_713 = arith.shrui %xor3A_706, %shift_right_logical3A_712 : vector<16xi32>
        %or3A_714 = arith.ori %shift_left3A_710, %shift_right_logical3A_713 : vector<16xi32>
        %xor3A_715 = arith.xori %or3A_714, %add3A_707 : vector<16xi32>
        %add3A_716 = arith.constant 466689008 : i32
        %add3A_717 = vector.broadcast %add3A_716 : i32 to vector<16xi32>
        %add3A_718 = arith.addi %add3A_707, %add3A_717 : vector<16xi32>
        %add3A_719 = arith.constant 5 : i32
        %add3A_720 = vector.broadcast %add3A_719 : i32 to vector<16xi32>
        %add3A_721 = arith.addi %xor3A_715, %add3A_720 : vector<16xi32>
        %xor3A_722 = arith.xori %add3A_718, %add3A_721 : vector<16xi32>
        %mul3A_723 = arith.constant 16 : i32
        %mul3A_724 = arith.muli %add3A_495, %mul3A_723 : i32
        %swap3A_725 = arith.index_cast %mul3A_724 : i32 to index
        %swap3A_726 = tpu.vector_load %arg3[%swap3A_725] {strides = array<i32>} : memref<8192xi32, #tpu.memory_space<vmem>>, vector<16xi32>,
        %swap3A_727 = vector.shape_cast %swap3A_726 : vector<16xi32> to vector<16xi32>
        %swap3A_728 = vector.shape_cast %xor3A_722 : vector<16xi32> to vector<16xi32>
        tpu.vector_store %arg3[%swap3A_725], %swap3A_728 {strides = array<i32>} : memref<8192xi32, #tpu.memory_space<vmem>>, vector<16xi32>,
        %mul3A_729 = arith.constant 4 : i32
        %mul3A_730 = arith.muli %scan3A_24, %mul3A_729 : i32
        %add3A_731 = arith.constant 3 : i32
        %add3A_732 = arith.addi %mul3A_730, %add3A_731 : i32
        %shift_right_arithmetic3A_733 = arith.constant 6 : i32
        %shift_right_arithmetic3A_734 = arith.shrsi %add3A_732, %shift_right_arithmetic3A_733 : i32
        %and3A_735 = arith.constant 63 : i32
        %and3A_736 = arith.andi %add3A_732, %and3A_735 : i32
        %shift_left3A_737 = arith.constant 4 : i32
        %shift_left3A_738 = arith.shli %and3A_736, %shift_left3A_737 : i32
        %mul3A_739 = arith.constant 8 : i32
        %mul3A_740 = arith.muli %scan3A_10, %mul3A_739 : i32
        %add3A_741 = arith.addi %add3A_4, %mul3A_740 : i32
        %add3A_742 = arith.addi %add3A_741, %shift_right_arithmetic3A_734 : i32
        %mul3A_743 = arith.constant 1000 : i32
        %mul3A_744 = arith.muli %add3A_742, %mul3A_743 : i32
        %add3A_745 = arith.addi %mul3A_744, %shift_left3A_738 : i32
        %add3A_746 = arith.constant 42 : i32
        %add3A_747 = arith.addi %add3A_745, %add3A_746 : i32
        %add3A_748 = vector.broadcast %add3A_747 : i32 to vector<16xi32>
        %add3A_749 = arith.addi %iota3A, %add3A_748 : vector<16xi32>
        %shift_left3A_750 = arith.constant 13 : i32
        %shift_left3A_751 = vector.broadcast %shift_left3A_750 : i32 to vector<16xi32>
        %shift_left3A_752 = arith.shli %add3A_749, %shift_left3A_751 : vector<16xi32>
        %shift_right_logical3A_753 = arith.constant 19 : i32
        %shift_right_logical3A_754 = vector.broadcast %shift_right_logical3A_753 : i32 to vector<16xi32>
        %shift_right_logical3A_755 = arith.shrui %add3A_749, %shift_right_logical3A_754 : vector<16xi32>
        %or3A_756 = arith.ori %shift_left3A_752, %shift_right_logical3A_755 : vector<16xi32>
        %xor3A_757 = arith.xori %or3A_756, %add3A_749 : vector<16xi32>
        %add3A_758 = arith.addi %add3A_749, %xor3A_757 : vector<16xi32>
        %shift_left3A_759 = arith.constant 15 : i32
        %shift_left3A_760 = vector.broadcast %shift_left3A_759 : i32 to vector<16xi32>
        %shift_left3A_761 = arith.shli %xor3A_757, %shift_left3A_760 : vector<16xi32>
        %shift_right_logical3A_762 = arith.constant 17 : i32
        %shift_right_logical3A_763 = vector.broadcast %shift_right_logical3A_762 : i32 to vector<16xi32>
        %shift_right_logical3A_764 = arith.shrui %xor3A_757, %shift_right_logical3A_763 : vector<16xi32>
        %or3A_765 = arith.ori %shift_left3A_761, %shift_right_logical3A_764 : vector<16xi32>
        %xor3A_766 = arith.xori %or3A_765, %add3A_758 : vector<16xi32>
        %add3A_767 = arith.addi %add3A_758, %xor3A_766 : vector<16xi32>
        %shift_left3A_768 = arith.constant 26 : i32
        %shift_left3A_769 = vector.broadcast %shift_left3A_768 : i32 to vector<16xi32>
        %shift_left3A_770 = arith.shli %xor3A_766, %shift_left3A_769 : vector<16xi32>
        %shift_right_logical3A_771 = arith.constant 6 : i32
        %shift_right_logical3A_772 = vector.broadcast %shift_right_logical3A_771 : i32 to vector<16xi32>
        %shift_right_logical3A_773 = arith.shrui %xor3A_766, %shift_right_logical3A_772 : vector<16xi32>
        %or3A_774 = arith.ori %shift_left3A_770, %shift_right_logical3A_773 : vector<16xi32>
        %xor3A_775 = arith.xori %or3A_774, %add3A_767 : vector<16xi32>
        %add3A_776 = arith.addi %add3A_767, %xor3A_775 : vector<16xi32>
        %shift_left3A_777 = arith.constant 6 : i32
        %shift_left3A_778 = vector.broadcast %shift_left3A_777 : i32 to vector<16xi32>
        %shift_left3A_779 = arith.shli %xor3A_775, %shift_left3A_778 : vector<16xi32>
        %shift_right_logical3A_780 = arith.constant 26 : i32
        %shift_right_logical3A_781 = vector.broadcast %shift_right_logical3A_780 : i32 to vector<16xi32>
        %shift_right_logical3A_782 = arith.shrui %xor3A_775, %shift_right_logical3A_781 : vector<16xi32>
        %or3A_783 = arith.ori %shift_left3A_779, %shift_right_logical3A_782 : vector<16xi32>
        %xor3A_784 = arith.xori %or3A_783, %add3A_776 : vector<16xi32>
        %add3A_785 = arith.constant 42 : i32
        %add3A_786 = vector.broadcast %add3A_785 : i32 to vector<16xi32>
        %add3A_787 = arith.addi %add3A_776, %add3A_786 : vector<16xi32>
        %add3A_788 = arith.constant 466689009 : i32
        %add3A_789 = vector.broadcast %add3A_788 : i32 to vector<16xi32>
        %add3A_790 = arith.addi %xor3A_784, %add3A_789 : vector<16xi32>
        %add3A_791 = arith.addi %add3A_787, %add3A_790 : vector<16xi32>
        %shift_left3A_792 = arith.constant 17 : i32
        %shift_left3A_793 = vector.broadcast %shift_left3A_792 : i32 to vector<16xi32>
        %shift_left3A_794 = arith.shli %add3A_790, %shift_left3A_793 : vector<16xi32>
        %shift_right_logical3A_795 = arith.constant 15 : i32
        %shift_right_logical3A_796 = vector.broadcast %shift_right_logical3A_795 : i32 to vector<16xi32>
        %shift_right_logical3A_797 = arith.shrui %add3A_790, %shift_right_logical3A_796 : vector<16xi32>
        %or3A_798 = arith.ori %shift_left3A_794, %shift_right_logical3A_797 : vector<16xi32>
        %xor3A_799 = arith.xori %or3A_798, %add3A_791 : vector<16xi32>
        %add3A_800 = arith.addi %add3A_791, %xor3A_799 : vector<16xi32>
        %shift_left3A_801 = arith.constant 29 : i32
        %shift_left3A_802 = vector.broadcast %shift_left3A_801 : i32 to vector<16xi32>
        %shift_left3A_803 = arith.shli %xor3A_799, %shift_left3A_802 : vector<16xi32>
        %shift_right_logical3A_804 = arith.constant 3 : i32
        %shift_right_logical3A_805 = vector.broadcast %shift_right_logical3A_804 : i32 to vector<16xi32>
        %shift_right_logical3A_806 = arith.shrui %xor3A_799, %shift_right_logical3A_805 : vector<16xi32>
        %or3A_807 = arith.ori %shift_left3A_803, %shift_right_logical3A_806 : vector<16xi32>
        %xor3A_808 = arith.xori %or3A_807, %add3A_800 : vector<16xi32>
        %add3A_809 = arith.addi %add3A_800, %xor3A_808 : vector<16xi32>
        %shift_left3A_810 = arith.constant 16 : i32
        %shift_left3A_811 = vector.broadcast %shift_left3A_810 : i32 to vector<16xi32>
        %shift_left3A_812 = arith.shli %xor3A_808, %shift_left3A_811 : vector<16xi32>
        %shift_right_logical3A_813 = arith.constant 16 : i32
        %shift_right_logical3A_814 = vector.broadcast %shift_right_logical3A_813 : i32 to vector<16xi32>
        %shift_right_logical3A_815 = arith.shrui %xor3A_808, %shift_right_logical3A_814 : vector<16xi32>
        %or3A_816 = arith.ori %shift_left3A_812, %shift_right_logical3A_815 : vector<16xi32>
        %xor3A_817 = arith.xori %or3A_816, %add3A_809 : vector<16xi32>
        %add3A_818 = arith.addi %add3A_809, %xor3A_817 : vector<16xi32>
        %shift_left3A_819 = arith.constant 24 : i32
        %shift_left3A_820 = vector.broadcast %shift_left3A_819 : i32 to vector<16xi32>
        %shift_left3A_821 = arith.shli %xor3A_817, %shift_left3A_820 : vector<16xi32>
        %shift_right_logical3A_822 = arith.constant 8 : i32
        %shift_right_logical3A_823 = vector.broadcast %shift_right_logical3A_822 : i32 to vector<16xi32>
        %shift_right_logical3A_824 = arith.shrui %xor3A_817, %shift_right_logical3A_823 : vector<16xi32>
        %or3A_825 = arith.ori %shift_left3A_821, %shift_right_logical3A_824 : vector<16xi32>
        %xor3A_826 = arith.xori %or3A_825, %add3A_818 : vector<16xi32>
        %add3A_827 = arith.constant 466689008 : i32
        %add3A_828 = vector.broadcast %add3A_827 : i32 to vector<16xi32>
        %add3A_829 = arith.addi %add3A_818, %add3A_828 : vector<16xi32>
        %add3A_830 = arith.constant 2 : i32
        %add3A_831 = vector.broadcast %add3A_830 : i32 to vector<16xi32>
        %add3A_832 = arith.addi %xor3A_826, %add3A_831 : vector<16xi32>
        %add3A_833 = arith.addi %add3A_829, %add3A_832 : vector<16xi32>
        %shift_left3A_834 = arith.constant 13 : i32
        %shift_left3A_835 = vector.broadcast %shift_left3A_834 : i32 to vector<16xi32>
        %shift_left3A_836 = arith.shli %add3A_832, %shift_left3A_835 : vector<16xi32>
        %shift_right_logical3A_837 = arith.constant 19 : i32
        %shift_right_logical3A_838 = vector.broadcast %shift_right_logical3A_837 : i32 to vector<16xi32>
        %shift_right_logical3A_839 = arith.shrui %add3A_832, %shift_right_logical3A_838 : vector<16xi32>
        %or3A_840 = arith.ori %shift_left3A_836, %shift_right_logical3A_839 : vector<16xi32>
        %xor3A_841 = arith.xori %or3A_840, %add3A_833 : vector<16xi32>
        %add3A_842 = arith.addi %add3A_833, %xor3A_841 : vector<16xi32>
        %shift_left3A_843 = arith.constant 15 : i32
        %shift_left3A_844 = vector.broadcast %shift_left3A_843 : i32 to vector<16xi32>
        %shift_left3A_845 = arith.shli %xor3A_841, %shift_left3A_844 : vector<16xi32>
        %shift_right_logical3A_846 = arith.constant 17 : i32
        %shift_right_logical3A_847 = vector.broadcast %shift_right_logical3A_846 : i32 to vector<16xi32>
        %shift_right_logical3A_848 = arith.shrui %xor3A_841, %shift_right_logical3A_847 : vector<16xi32>
        %or3A_849 = arith.ori %shift_left3A_845, %shift_right_logical3A_848 : vector<16xi32>
        %xor3A_850 = arith.xori %or3A_849, %add3A_842 : vector<16xi32>
        %add3A_851 = arith.addi %add3A_842, %xor3A_850 : vector<16xi32>
        %shift_left3A_852 = arith.constant 26 : i32
        %shift_left3A_853 = vector.broadcast %shift_left3A_852 : i32 to vector<16xi32>
        %shift_left3A_854 = arith.shli %xor3A_850, %shift_left3A_853 : vector<16xi32>
        %shift_right_logical3A_855 = arith.constant 6 : i32
        %shift_right_logical3A_856 = vector.broadcast %shift_right_logical3A_855 : i32 to vector<16xi32>
        %shift_right_logical3A_857 = arith.shrui %xor3A_850, %shift_right_logical3A_856 : vector<16xi32>
        %or3A_858 = arith.ori %shift_left3A_854, %shift_right_logical3A_857 : vector<16xi32>
        %xor3A_859 = arith.xori %or3A_858, %add3A_851 : vector<16xi32>
        %add3A_860 = arith.addi %add3A_851, %xor3A_859 : vector<16xi32>
        %shift_left3A_861 = arith.constant 6 : i32
        %shift_left3A_862 = vector.broadcast %shift_left3A_861 : i32 to vector<16xi32>
        %shift_left3A_863 = arith.shli %xor3A_859, %shift_left3A_862 : vector<16xi32>
        %shift_right_logical3A_864 = arith.constant 26 : i32
        %shift_right_logical3A_865 = vector.broadcast %shift_right_logical3A_864 : i32 to vector<16xi32>
        %shift_right_logical3A_866 = arith.shrui %xor3A_859, %shift_right_logical3A_865 : vector<16xi32>
        %or3A_867 = arith.ori %shift_left3A_863, %shift_right_logical3A_866 : vector<16xi32>
        %xor3A_868 = arith.xori %or3A_867, %add3A_860 : vector<16xi32>
        %add3A_869 = arith.constant 0 : i32
        %add3A_870 = vector.broadcast %add3A_869 : i32 to vector<16xi32>
        %add3A_871 = arith.addi %add3A_860, %add3A_870 : vector<16xi32>
        %add3A_872 = arith.constant 45 : i32
        %add3A_873 = vector.broadcast %add3A_872 : i32 to vector<16xi32>
        %add3A_874 = arith.addi %xor3A_868, %add3A_873 : vector<16xi32>
        %add3A_875 = arith.addi %add3A_871, %add3A_874 : vector<16xi32>
        %shift_left3A_876 = arith.constant 17 : i32
        %shift_left3A_877 = vector.broadcast %shift_left3A_876 : i32 to vector<16xi32>
        %shift_left3A_878 = arith.shli %add3A_874, %shift_left3A_877 : vector<16xi32>
        %shift_right_logical3A_879 = arith.constant 15 : i32
        %shift_right_logical3A_880 = vector.broadcast %shift_right_logical3A_879 : i32 to vector<16xi32>
        %shift_right_logical3A_881 = arith.shrui %add3A_874, %shift_right_logical3A_880 : vector<16xi32>
        %or3A_882 = arith.ori %shift_left3A_878, %shift_right_logical3A_881 : vector<16xi32>
        %xor3A_883 = arith.xori %or3A_882, %add3A_875 : vector<16xi32>
        %add3A_884 = arith.addi %add3A_875, %xor3A_883 : vector<16xi32>
        %shift_left3A_885 = arith.constant 29 : i32
        %shift_left3A_886 = vector.broadcast %shift_left3A_885 : i32 to vector<16xi32>
        %shift_left3A_887 = arith.shli %xor3A_883, %shift_left3A_886 : vector<16xi32>
        %shift_right_logical3A_888 = arith.constant 3 : i32
        %shift_right_logical3A_889 = vector.broadcast %shift_right_logical3A_888 : i32 to vector<16xi32>
        %shift_right_logical3A_890 = arith.shrui %xor3A_883, %shift_right_logical3A_889 : vector<16xi32>
        %or3A_891 = arith.ori %shift_left3A_887, %shift_right_logical3A_890 : vector<16xi32>
        %xor3A_892 = arith.xori %or3A_891, %add3A_884 : vector<16xi32>
        %add3A_893 = arith.addi %add3A_884, %xor3A_892 : vector<16xi32>
        %shift_left3A_894 = arith.constant 16 : i32
        %shift_left3A_895 = vector.broadcast %shift_left3A_894 : i32 to vector<16xi32>
        %shift_left3A_896 = arith.shli %xor3A_892, %shift_left3A_895 : vector<16xi32>
        %shift_right_logical3A_897 = arith.constant 16 : i32
        %shift_right_logical3A_898 = vector.broadcast %shift_right_logical3A_897 : i32 to vector<16xi32>
        %shift_right_logical3A_899 = arith.shrui %xor3A_892, %shift_right_logical3A_898 : vector<16xi32>
        %or3A_900 = arith.ori %shift_left3A_896, %shift_right_logical3A_899 : vector<16xi32>
        %xor3A_901 = arith.xori %or3A_900, %add3A_893 : vector<16xi32>
        %add3A_902 = arith.addi %add3A_893, %xor3A_901 : vector<16xi32>
        %shift_left3A_903 = arith.constant 24 : i32
        %shift_left3A_904 = vector.broadcast %shift_left3A_903 : i32 to vector<16xi32>
        %shift_left3A_905 = arith.shli %xor3A_901, %shift_left3A_904 : vector<16xi32>
        %shift_right_logical3A_906 = arith.constant 8 : i32
        %shift_right_logical3A_907 = vector.broadcast %shift_right_logical3A_906 : i32 to vector<16xi32>
        %shift_right_logical3A_908 = arith.shrui %xor3A_901, %shift_right_logical3A_907 : vector<16xi32>
        %or3A_909 = arith.ori %shift_left3A_905, %shift_right_logical3A_908 : vector<16xi32>
        %xor3A_910 = arith.xori %or3A_909, %add3A_902 : vector<16xi32>
        %add3A_911 = arith.constant 42 : i32
        %add3A_912 = vector.broadcast %add3A_911 : i32 to vector<16xi32>
        %add3A_913 = arith.addi %add3A_902, %add3A_912 : vector<16xi32>
        %add3A_914 = arith.constant 466689012 : i32
        %add3A_915 = vector.broadcast %add3A_914 : i32 to vector<16xi32>
        %add3A_916 = arith.addi %xor3A_910, %add3A_915 : vector<16xi32>
        %add3A_917 = arith.addi %add3A_913, %add3A_916 : vector<16xi32>
        %shift_left3A_918 = arith.constant 13 : i32
        %shift_left3A_919 = vector.broadcast %shift_left3A_918 : i32 to vector<16xi32>
        %shift_left3A_920 = arith.shli %add3A_916, %shift_left3A_919 : vector<16xi32>
        %shift_right_logical3A_921 = arith.constant 19 : i32
        %shift_right_logical3A_922 = vector.broadcast %shift_right_logical3A_921 : i32 to vector<16xi32>
        %shift_right_logical3A_923 = arith.shrui %add3A_916, %shift_right_logical3A_922 : vector<16xi32>
        %or3A_924 = arith.ori %shift_left3A_920, %shift_right_logical3A_923 : vector<16xi32>
        %xor3A_925 = arith.xori %or3A_924, %add3A_917 : vector<16xi32>
        %add3A_926 = arith.addi %add3A_917, %xor3A_925 : vector<16xi32>
        %shift_left3A_927 = arith.constant 15 : i32
        %shift_left3A_928 = vector.broadcast %shift_left3A_927 : i32 to vector<16xi32>
        %shift_left3A_929 = arith.shli %xor3A_925, %shift_left3A_928 : vector<16xi32>
        %shift_right_logical3A_930 = arith.constant 17 : i32
        %shift_right_logical3A_931 = vector.broadcast %shift_right_logical3A_930 : i32 to vector<16xi32>
        %shift_right_logical3A_932 = arith.shrui %xor3A_925, %shift_right_logical3A_931 : vector<16xi32>
        %or3A_933 = arith.ori %shift_left3A_929, %shift_right_logical3A_932 : vector<16xi32>
        %xor3A_934 = arith.xori %or3A_933, %add3A_926 : vector<16xi32>
        %add3A_935 = arith.addi %add3A_926, %xor3A_934 : vector<16xi32>
        %shift_left3A_936 = arith.constant 26 : i32
        %shift_left3A_937 = vector.broadcast %shift_left3A_936 : i32 to vector<16xi32>
        %shift_left3A_938 = arith.shli %xor3A_934, %shift_left3A_937 : vector<16xi32>
        %shift_right_logical3A_939 = arith.constant 6 : i32
        %shift_right_logical3A_940 = vector.broadcast %shift_right_logical3A_939 : i32 to vector<16xi32>
        %shift_right_logical3A_941 = arith.shrui %xor3A_934, %shift_right_logical3A_940 : vector<16xi32>
        %or3A_942 = arith.ori %shift_left3A_938, %shift_right_logical3A_941 : vector<16xi32>
        %xor3A_943 = arith.xori %or3A_942, %add3A_935 : vector<16xi32>
        %add3A_944 = arith.addi %add3A_935, %xor3A_943 : vector<16xi32>
        %shift_left3A_945 = arith.constant 6 : i32
        %shift_left3A_946 = vector.broadcast %shift_left3A_945 : i32 to vector<16xi32>
        %shift_left3A_947 = arith.shli %xor3A_943, %shift_left3A_946 : vector<16xi32>
        %shift_right_logical3A_948 = arith.constant 26 : i32
        %shift_right_logical3A_949 = vector.broadcast %shift_right_logical3A_948 : i32 to vector<16xi32>
        %shift_right_logical3A_950 = arith.shrui %xor3A_943, %shift_right_logical3A_949 : vector<16xi32>
        %or3A_951 = arith.ori %shift_left3A_947, %shift_right_logical3A_950 : vector<16xi32>
        %xor3A_952 = arith.xori %or3A_951, %add3A_944 : vector<16xi32>
        %add3A_953 = arith.constant 466689008 : i32
        %add3A_954 = vector.broadcast %add3A_953 : i32 to vector<16xi32>
        %add3A_955 = arith.addi %add3A_944, %add3A_954 : vector<16xi32>
        %add3A_956 = arith.constant 5 : i32
        %add3A_957 = vector.broadcast %add3A_956 : i32 to vector<16xi32>
        %add3A_958 = arith.addi %xor3A_952, %add3A_957 : vector<16xi32>
        %xor3A_959 = arith.xori %add3A_955, %add3A_958 : vector<16xi32>
        %mul3A_960 = arith.constant 16 : i32
        %mul3A_961 = arith.muli %add3A_732, %mul3A_960 : i32
        %swap3A_962 = arith.index_cast %mul3A_961 : i32 to index
        %swap3A_963 = tpu.vector_load %arg3[%swap3A_962] {strides = array<i32>} : memref<8192xi32, #tpu.memory_space<vmem>>, vector<16xi32>,
        %swap3A_964 = vector.shape_cast %swap3A_963 : vector<16xi32> to vector<16xi32>
        %swap3A_965 = vector.shape_cast %xor3A_959 : vector<16xi32> to vector<16xi32>
        tpu.vector_store %arg3[%swap3A_962], %swap3A_965 {strides = array<i32>} : memref<8192xi32, #tpu.memory_space<vmem>>, vector<16xi32>,
      }
      %scan3A_16 = arith.constant 128 : i32
      %mul3A_17 = arith.constant 704 : i32
      %mul3A_18 = arith.muli %add3A, %mul3A_17 : i32
      %mul3A_19 = arith.constant 8 : i32
      %mul3A_20 = arith.muli %scan3A_10, %mul3A_19 : i32
      %add3A_21 = arith.addi %mul3A_18, %mul3A_20 : i32
      %mul3A_22 = arith.constant 1024 : i32
      %mul3A_23 = arith.muli %add3A_21, %mul3A_22 : i32
      "tpu.region"() ({
        %run_scoped3A = tpu.sem_alloc : memref<!tpu.dma_semaphore, #tpu.memory_space<semaphore_mem>>
        %dma_start3A = tpu.memref_slice %arg2[%mul3A_23] : memref<23068672xi32, #tpu.memory_space<hbm>> -> memref<8192xi32, #tpu.memory_space<hbm>>
        %dma_start3A_24 = tpu.memref_slice %arg2[%mul3A_23] : memref<23068672xi32, #tpu.memory_space<hbm>> -> memref<8192xi32, #tpu.memory_space<hbm>>
        tpu.enqueue_dma source(%arg3 : memref<8192xi32, #tpu.memory_space<vmem>>) target(%dma_start3A_24 : memref<8192xi32, #tpu.memory_space<hbm>>) target_semaphore(%run_scoped3A : memref<!tpu.dma_semaphore, #tpu.memory_space<semaphore_mem>>)
        %dma_wait3A = tpu.memref_slice %arg2[%mul3A_23] : memref<23068672xi32, #tpu.memory_space<hbm>> -> memref<8192xi32, #tpu.memory_space<hbm>>
        %dma_wait3A_25 = tpu.memref_slice %arg2[%mul3A_23] : memref<23068672xi32, #tpu.memory_space<hbm>> -> memref<8192xi32, #tpu.memory_space<hbm>>
        tpu.wait_dma2 semaphore(%run_scoped3A : memref<!tpu.dma_semaphore, #tpu.memory_space<semaphore_mem>>) src(%arg3 : memref<8192xi32, #tpu.memory_space<vmem>>) dst(%dma_wait3A_25 : memref<8192xi32, #tpu.memory_space<hbm>>)
        tpu.yield
      }) : () -> ()
    }
    %scan3A_9 = arith.constant 88 : i32
    return
  }
}

#map = affine_map<(d0, d1) -> (0)>
#map1 = affine_map<(d0, d1) -> (0, 0)>
module attributes {stable_mosaic.version = 14 : i64} {
  func.func @_tgt_body(%arg0: i32, %arg1: i32, %arg2: memref<65536xi32, #tpu.memory_space<hbm>>, %arg3: memref<65536xi32, #tpu.memory_space<hbm>>, %arg4: memref<1000000xf32, #tpu.memory_space<hbm>>, %arg5: memref<32x16xf32, #tpu.memory_space<hbm>>, %arg6: memref<2048xi32, #tpu.memory_space<vmem>>, %arg7: memref<2048xi32, #tpu.memory_space<vmem>>, %arg8: memref<2048xi32, #tpu.memory_space<vmem>>, %arg9: memref<2048xf32, #tpu.memory_space<vmem>>, %arg10: memref<16xf32, #tpu.memory_space<vmem>>, %arg11: memref<!tpu.dma_semaphore, #tpu.memory_space<semaphore_mem>>) attributes {dimension_semantics = [#tpu.dimension_semantics<core_parallel>, #tpu.dimension_semantics<subcore_parallel>], iteration_bounds = array<i64: 2, 16>, scalar_prefetch = 0 : i64, scratch_operands = 6 : i64, tpu.core_type = #tpu.core_type<sc_vector_subcore>, window_params = [{transform_indices = #map}, {transform_indices = #map}, {transform_indices = #map}, {transform_indices = #map1}]} {
    %mul3A = arith.constant 2 : i32
    %mul3A_0 = arith.muli %arg1, %mul3A : i32
    %add3A = arith.addi %mul3A_0, %arg0 : i32
    %mul3A_1 = arith.constant 2048 : i32
    %mul3A_2 = arith.muli %add3A, %mul3A_1 : i32
    "tpu.region"() ({
      %run_scoped3A = tpu.sem_alloc : memref<!tpu.dma_semaphore, #tpu.memory_space<semaphore_mem>>
      %dma_start3A_20 = tpu.memref_slice %arg2[%mul3A_2] : memref<65536xi32, #tpu.memory_space<hbm>> -> memref<2048xi32, #tpu.memory_space<hbm>>
      %dma_start3A_21 = tpu.memref_slice %arg2[%mul3A_2] : memref<65536xi32, #tpu.memory_space<hbm>> -> memref<2048xi32, #tpu.memory_space<hbm>>
      tpu.enqueue_dma source(%dma_start3A_21 : memref<2048xi32, #tpu.memory_space<hbm>>) target(%arg6 : memref<2048xi32, #tpu.memory_space<vmem>>) target_semaphore(%run_scoped3A : memref<!tpu.dma_semaphore, #tpu.memory_space<semaphore_mem>>)
      %dma_wait3A_22 = tpu.memref_slice %arg2[%mul3A_2] : memref<65536xi32, #tpu.memory_space<hbm>> -> memref<2048xi32, #tpu.memory_space<hbm>>
      %dma_wait3A_23 = tpu.memref_slice %arg2[%mul3A_2] : memref<65536xi32, #tpu.memory_space<hbm>> -> memref<2048xi32, #tpu.memory_space<hbm>>
      tpu.wait_dma2 semaphore(%run_scoped3A : memref<!tpu.dma_semaphore, #tpu.memory_space<semaphore_mem>>) src(%dma_wait3A_23 : memref<2048xi32, #tpu.memory_space<hbm>>) dst(%arg6 : memref<2048xi32, #tpu.memory_space<vmem>>)
      tpu.yield
    }) : () -> ()
    "tpu.region"() ({
      %run_scoped3A = tpu.sem_alloc : memref<!tpu.dma_semaphore, #tpu.memory_space<semaphore_mem>>
      %dma_start3A_20 = tpu.memref_slice %arg3[%mul3A_2] : memref<65536xi32, #tpu.memory_space<hbm>> -> memref<2048xi32, #tpu.memory_space<hbm>>
      %dma_start3A_21 = tpu.memref_slice %arg3[%mul3A_2] : memref<65536xi32, #tpu.memory_space<hbm>> -> memref<2048xi32, #tpu.memory_space<hbm>>
      tpu.enqueue_dma source(%dma_start3A_21 : memref<2048xi32, #tpu.memory_space<hbm>>) target(%arg7 : memref<2048xi32, #tpu.memory_space<vmem>>) target_semaphore(%run_scoped3A : memref<!tpu.dma_semaphore, #tpu.memory_space<semaphore_mem>>)
      %dma_wait3A_22 = tpu.memref_slice %arg3[%mul3A_2] : memref<65536xi32, #tpu.memory_space<hbm>> -> memref<2048xi32, #tpu.memory_space<hbm>>
      %dma_wait3A_23 = tpu.memref_slice %arg3[%mul3A_2] : memref<65536xi32, #tpu.memory_space<hbm>> -> memref<2048xi32, #tpu.memory_space<hbm>>
      tpu.wait_dma2 semaphore(%run_scoped3A : memref<!tpu.dma_semaphore, #tpu.memory_space<semaphore_mem>>) src(%dma_wait3A_23 : memref<2048xi32, #tpu.memory_space<hbm>>) dst(%arg7 : memref<2048xi32, #tpu.memory_space<vmem>>)
      tpu.yield
    }) : () -> ()
    %scan3A = arith.constant 0 : i32
    %scan3A_3 = arith.constant 0 : i32
    %scan3A_4 = arith.constant 128 : i32
    %scan3A_5 = arith.addi %scan3A_3, %scan3A_4 : i32
    %scan3A_6 = arith.constant 1 : i32
    scf.for %scan3A_20 = %scan3A_3 to %scan3A_5 step %scan3A_6  : i32 {
      %mul3A_21 = arith.constant 16 : i32
      %mul3A_22 = arith.muli %scan3A_20, %mul3A_21 : i32
      %get3A = arith.index_cast %mul3A_22 : i32 to index
      %get3A_23 = tpu.vector_load %arg6[%get3A] {strides = array<i32>} : memref<2048xi32, #tpu.memory_space<vmem>>, vector<16xi32>,
      %get3A_24 = vector.shape_cast %get3A_23 : vector<16xi32> to vector<16xi32>
      %mul3A_25 = arith.constant 1000 : i32
      %mul3A_26 = vector.broadcast %mul3A_25 : i32 to vector<16xi32>
      %mul3A_27 = arith.muli %get3A_24, %mul3A_26 : vector<16xi32>
      %get3A_28 = arith.index_cast %mul3A_22 : i32 to index
      %get3A_29 = tpu.vector_load %arg7[%get3A_28] {strides = array<i32>} : memref<2048xi32, #tpu.memory_space<vmem>>, vector<16xi32>,
      %get3A_30 = vector.shape_cast %get3A_29 : vector<16xi32> to vector<16xi32>
      %add3A_31 = arith.addi %mul3A_27, %get3A_30 : vector<16xi32>
      %swap3A_32 = arith.index_cast %mul3A_22 : i32 to index
      %swap3A_33 = tpu.vector_load %arg8[%swap3A_32] {strides = array<i32>} : memref<2048xi32, #tpu.memory_space<vmem>>, vector<16xi32>,
      %swap3A_34 = vector.shape_cast %swap3A_33 : vector<16xi32> to vector<16xi32>
      %swap3A_35 = vector.shape_cast %add3A_31 : vector<16xi32> to vector<16xi32>
      tpu.vector_store %arg8[%swap3A_32], %swap3A_35 {strides = array<i32>} : memref<2048xi32, #tpu.memory_space<vmem>>, vector<16xi32>,
    }
    %scan3A_7 = arith.constant 128 : i32
    %dma_start3A = arith.constant 0 : i32
    %dma_start3A_8 = tpu.memref_slice %arg4[%dma_start3A] : memref<1000000xf32, #tpu.memory_space<hbm>> -> memref<1000000xf32, #tpu.memory_space<hbm>>
    tpu.enqueue_indirect_dma source(%dma_start3A_8 : memref<1000000xf32, #tpu.memory_space<hbm>>) target(%arg9 : memref<2048xf32, #tpu.memory_space<vmem>>) offsets(%arg8 : memref<2048xi32, #tpu.memory_space<vmem>>) semaphore(%arg11 : memref<!tpu.dma_semaphore, #tpu.memory_space<semaphore_mem>>)
    %dma_wait3A = arith.constant 0 : i32
    %dma_wait3A_9 = tpu.memref_slice %arg4[%dma_wait3A] : memref<1000000xf32, #tpu.memory_space<hbm>> -> memref<1000000xf32, #tpu.memory_space<hbm>>
    tpu.wait_indirect_dma semaphore(%arg11 : memref<!tpu.dma_semaphore, #tpu.memory_space<semaphore_mem>>) src(%dma_wait3A_9 : memref<1000000xf32, #tpu.memory_space<hbm>>) dst(%arg9 : memref<2048xf32, #tpu.memory_space<vmem>>)
    %broadcast_in_dim3A = arith.constant 0.000000e+00 : f32
    %broadcast_in_dim3A_10 = vector.broadcast %broadcast_in_dim3A : f32 to vector<16xf32>
    %scan3A_11 = arith.constant 0 : i32
    %scan3A_12 = arith.constant 128 : i32
    %scan3A_13 = arith.addi %scan3A_11, %scan3A_12 : i32
    %scan3A_14 = arith.constant 1 : i32
    %scan3A_15 = scf.for %scan3A_20 = %scan3A_11 to %scan3A_13 step %scan3A_14 iter_args(%scan3A_21 = %broadcast_in_dim3A_10) -> (vector<16xf32>)  : i32 {
      %mul3A_22 = arith.constant 16 : i32
      %mul3A_23 = arith.muli %scan3A_20, %mul3A_22 : i32
      %get3A = arith.index_cast %mul3A_23 : i32 to index
      %get3A_24 = tpu.vector_load %arg9[%get3A] {strides = array<i32>} : memref<2048xf32, #tpu.memory_space<vmem>>, vector<16xf32>,
      %get3A_25 = vector.shape_cast %get3A_24 : vector<16xf32> to vector<16xf32>
      %add3A_26 = arith.addf %scan3A_21, %get3A_25 : vector<16xf32>
      scf.yield %add3A_26 : vector<16xf32>
    }
    %scan3A_16 = arith.constant 128 : i32
    %swap3A = arith.constant 0 : index
    %swap3A_17 = tpu.vector_load %arg10[%swap3A] {strides = array<i32>} : memref<16xf32, #tpu.memory_space<vmem>>, vector<16xf32>,
    %swap3A_18 = vector.shape_cast %swap3A_17 : vector<16xf32> to vector<16xf32>
    %swap3A_19 = vector.shape_cast %scan3A_15 : vector<16xf32> to vector<16xf32>
    tpu.vector_store %arg10[%swap3A], %swap3A_19 {strides = array<i32>} : memref<16xf32, #tpu.memory_space<vmem>>, vector<16xf32>,
    "tpu.region"() ({
      %run_scoped3A = tpu.sem_alloc : memref<!tpu.dma_semaphore, #tpu.memory_space<semaphore_mem>>
      %dma_start3A_20 = arith.constant 0 : i32
      %dma_start3A_21 = tpu.memref_slice %arg5[%add3A, %dma_start3A_20] : memref<32x16xf32, #tpu.memory_space<hbm>> -> memref<1x16xf32, #tpu.memory_space<hbm>>
      %dma_start3A_22 = tpu.memref_squeeze %dma_start3A_21 : memref<1x16xf32, #tpu.memory_space<hbm>> -> memref<16xf32, #tpu.memory_space<hbm>>
      %dma_start3A_23 = arith.constant 0 : i32
      %dma_start3A_24 = tpu.memref_slice %arg5[%add3A, %dma_start3A_23] : memref<32x16xf32, #tpu.memory_space<hbm>> -> memref<1x16xf32, #tpu.memory_space<hbm>>
      %dma_start3A_25 = tpu.memref_squeeze %dma_start3A_24 : memref<1x16xf32, #tpu.memory_space<hbm>> -> memref<16xf32, #tpu.memory_space<hbm>>
      tpu.enqueue_dma source(%arg10 : memref<16xf32, #tpu.memory_space<vmem>>) target(%dma_start3A_25 : memref<16xf32, #tpu.memory_space<hbm>>) target_semaphore(%run_scoped3A : memref<!tpu.dma_semaphore, #tpu.memory_space<semaphore_mem>>)
      %dma_wait3A_26 = arith.constant 0 : i32
      %dma_wait3A_27 = tpu.memref_slice %arg5[%add3A, %dma_wait3A_26] : memref<32x16xf32, #tpu.memory_space<hbm>> -> memref<1x16xf32, #tpu.memory_space<hbm>>
      %dma_wait3A_28 = tpu.memref_squeeze %dma_wait3A_27 : memref<1x16xf32, #tpu.memory_space<hbm>> -> memref<16xf32, #tpu.memory_space<hbm>>
      %dma_wait3A_29 = arith.constant 0 : i32
      %dma_wait3A_30 = tpu.memref_slice %arg5[%add3A, %dma_wait3A_29] : memref<32x16xf32, #tpu.memory_space<hbm>> -> memref<1x16xf32, #tpu.memory_space<hbm>>
      %dma_wait3A_31 = tpu.memref_squeeze %dma_wait3A_30 : memref<1x16xf32, #tpu.memory_space<hbm>> -> memref<16xf32, #tpu.memory_space<hbm>>
      tpu.wait_dma2 semaphore(%run_scoped3A : memref<!tpu.dma_semaphore, #tpu.memory_space<semaphore_mem>>) src(%arg10 : memref<16xf32, #tpu.memory_space<vmem>>) dst(%dma_wait3A_31 : memref<16xf32, #tpu.memory_space<hbm>>)
      tpu.yield
    }) : () -> ()
    return
  }
}

module attributes {stable_mosaic.version = 14 : i64} {
  func.func @_body(%arg0: i32, %arg1: memref<512x1024xi32, #tpu.memory_space<vmem>>, %arg2: memref<1x512x1xi32, #tpu.memory_space<vmem>>, %arg3: memref<1024x1024xbf16, #tpu.memory_space<vmem>>, %arg4: memref<1024x1024xbf16, #tpu.memory_space<vmem>>, %arg5: memref<1x512x1xi32, #tpu.memory_space<vmem>>, %arg6: memref<1x1xf32, #tpu.memory_space<vmem>>, %arg7: memref<1x1xf32, #tpu.memory_space<smem>>) attributes {dimension_semantics = [#tpu.dimension_semantics<arbitrary>], iteration_bounds = array<i64: 84>, scalar_prefetch = 0 : i64, scratch_operands = 1 : i64, tpu.core_type = #tpu.core_type<tc>, window_params = [{pipeline_mode = #tpu.pipeline_mode<synchronous>, transform_indices = @transform_0, window_bounds = array<i64: 512, 1024>}, {transform_indices = @transform_1, window_bounds = array<i64: 1, 512, 1>}, {pipeline_mode = #tpu.pipeline_mode<synchronous>, transform_indices = @transform_2, window_bounds = array<i64: 1024, 1024>}, {pipeline_mode = #tpu.pipeline_mode<synchronous>, transform_indices = @transform_3, window_bounds = array<i64: 1024, 1024>}, {transform_indices = @transform_4, window_bounds = array<i64: 1, 512, 1>}, {pipeline_mode = #tpu.pipeline_mode<synchronous>, transform_indices = @transform_5, window_bounds = array<i64: 1, 1>}]} {
    %iota3A = tpu.iota {dimensions = array<i32: 1>} : vector<512x1024xi32>
    %eq3A = arith.constant 0 : i32
    %eq3A_0 = arith.cmpi eq, %arg0, %eq3A : i32
    %convert_element_type3A = arith.extui %eq3A_0 : i1 to i32
    %cond3A = arith.constant 0 : i32
    %cond3A_1 = arith.cmpi ne, %convert_element_type3A, %cond3A : i32
    scf.if %cond3A_1 {
      %swap3A_288 = arith.constant 0.000000e+00 : f32
      %swap3A_289 = arith.constant 0 : index
      %swap3A_290 = arith.constant 0 : index
      %swap3A_291 = memref.load %arg7[%swap3A_289, %swap3A_290] : memref<1x1xf32, #tpu.memory_space<smem>>
      memref.store %swap3A_288, %arg7[%swap3A_289, %swap3A_290] : memref<1x1xf32, #tpu.memory_space<smem>>
    } else {
    }
    %get3A = arith.constant 0 : index
    %get3A_2 = arith.constant 0 : index
    %get3A_3 = arith.constant 0 : index
    %get3A_4 = vector.load %arg2[%get3A, %get3A_2, %get3A_3] : memref<1x512x1xi32, #tpu.memory_space<vmem>>, vector<1x512x1xi32>
    %get3A_5 = vector.shape_cast %get3A_4 : vector<1x512x1xi32> to vector<512x1xi32>
    %eq3A_6 = vector.broadcast %get3A_5 : vector<512x1xi32> to vector<512x1024xi32>
    %eq3A_7 = arith.cmpi eq, %iota3A, %eq3A_6 : vector<512x1024xi32>
    %convert_element_type3A_8 = arith.extui %eq3A_7 : vector<512x1024xi1> to vector<512x1024xi32>
    %convert_element_type3A_9 = arith.sitofp %convert_element_type3A_8 : vector<512x1024xi32> to vector<512x1024xf32>
    %convert_element_type3A_10 = arith.truncf %convert_element_type3A_9 : vector<512x1024xf32> to vector<512x1024xbf16>
    %get3A_11 = arith.constant 0 : index
    %get3A_12 = arith.constant 0 : index
    %get3A_13 = vector.load %arg3[%get3A_11, %get3A_12] : memref<1024x1024xbf16, #tpu.memory_space<vmem>>, vector<1024x1024xbf16>
    %dot_general3A = arith.constant dense<0.000000e+00> : vector<512x1024xf32>
    %dot_general3A_14 = tpu.matmul %convert_element_type3A_10, %get3A_13, %dot_general3A {dimension_numbers = #tpu.dot_dimension_numbers<[1], [0], [0], [1], [0, 0, 1, 1], [], []>, transpose_lhs_hint = false} : vector<512x1024xbf16>, vector<1024x1024xbf16>, vector<512x1024xf32> -> vector<512x1024xf32>
    %get3A_15 = arith.constant 0 : index
    %get3A_16 = arith.constant 0 : index
    %get3A_17 = vector.load %arg4[%get3A_15, %get3A_16] : memref<1024x1024xbf16, #tpu.memory_space<vmem>>, vector<1024x1024xbf16>
    %dot_general3A_18 = arith.constant dense<0.000000e+00> : vector<512x1024xf32>
    %dot_general3A_19 = tpu.matmul %convert_element_type3A_10, %get3A_17, %dot_general3A_18 {dimension_numbers = #tpu.dot_dimension_numbers<[1], [0], [0], [1], [0, 0, 1, 1], [], []>, transpose_lhs_hint = false} : vector<512x1024xbf16>, vector<1024x1024xbf16>, vector<512x1024xf32> -> vector<512x1024xf32>
    %add3A = arith.addf %dot_general3A_14, %dot_general3A_19 : vector<512x1024xf32>
    %get3A_20 = arith.constant 0 : index
    %get3A_21 = arith.constant 0 : index
    %get3A_22 = vector.load %arg1[%get3A_20, %get3A_21] : memref<512x1024xi32, #tpu.memory_space<vmem>>, vector<512x1024xi32>
    %mul3A = arith.constant 512000 : i32
    %mul3A_23 = arith.muli %arg0, %mul3A : i32
    %add3A_24 = vector.broadcast %mul3A_23 : i32 to vector<512x1024xi32>
    %add3A_25 = arith.addi %get3A_22, %add3A_24 : vector<512x1024xi32>
    %shift_left3A = arith.constant 13 : i32
    %shift_left3A_26 = vector.broadcast %shift_left3A : i32 to vector<512x1024xi32>
    %shift_left3A_27 = arith.shli %add3A_25, %shift_left3A_26 : vector<512x1024xi32>
    %shift_right_logical3A = arith.constant 19 : i32
    %shift_right_logical3A_28 = vector.broadcast %shift_right_logical3A : i32 to vector<512x1024xi32>
    %shift_right_logical3A_29 = arith.shrui %add3A_25, %shift_right_logical3A_28 : vector<512x1024xi32>
    %or3A = arith.ori %shift_left3A_27, %shift_right_logical3A_29 : vector<512x1024xi32>
    %xor3A = arith.xori %or3A, %add3A_25 : vector<512x1024xi32>
    %add3A_30 = arith.addi %add3A_25, %xor3A : vector<512x1024xi32>
    %shift_left3A_31 = arith.constant 15 : i32
    %shift_left3A_32 = vector.broadcast %shift_left3A_31 : i32 to vector<512x1024xi32>
    %shift_left3A_33 = arith.shli %xor3A, %shift_left3A_32 : vector<512x1024xi32>
    %shift_right_logical3A_34 = arith.constant 17 : i32
    %shift_right_logical3A_35 = vector.broadcast %shift_right_logical3A_34 : i32 to vector<512x1024xi32>
    %shift_right_logical3A_36 = arith.shrui %xor3A, %shift_right_logical3A_35 : vector<512x1024xi32>
    %or3A_37 = arith.ori %shift_left3A_33, %shift_right_logical3A_36 : vector<512x1024xi32>
    %xor3A_38 = arith.xori %or3A_37, %add3A_30 : vector<512x1024xi32>
    %add3A_39 = arith.addi %add3A_30, %xor3A_38 : vector<512x1024xi32>
    %shift_left3A_40 = arith.constant 26 : i32
    %shift_left3A_41 = vector.broadcast %shift_left3A_40 : i32 to vector<512x1024xi32>
    %shift_left3A_42 = arith.shli %xor3A_38, %shift_left3A_41 : vector<512x1024xi32>
    %shift_right_logical3A_43 = arith.constant 6 : i32
    %shift_right_logical3A_44 = vector.broadcast %shift_right_logical3A_43 : i32 to vector<512x1024xi32>
    %shift_right_logical3A_45 = arith.shrui %xor3A_38, %shift_right_logical3A_44 : vector<512x1024xi32>
    %or3A_46 = arith.ori %shift_left3A_42, %shift_right_logical3A_45 : vector<512x1024xi32>
    %xor3A_47 = arith.xori %or3A_46, %add3A_39 : vector<512x1024xi32>
    %add3A_48 = arith.addi %add3A_39, %xor3A_47 : vector<512x1024xi32>
    %shift_left3A_49 = arith.constant 6 : i32
    %shift_left3A_50 = vector.broadcast %shift_left3A_49 : i32 to vector<512x1024xi32>
    %shift_left3A_51 = arith.shli %xor3A_47, %shift_left3A_50 : vector<512x1024xi32>
    %shift_right_logical3A_52 = arith.constant 26 : i32
    %shift_right_logical3A_53 = vector.broadcast %shift_right_logical3A_52 : i32 to vector<512x1024xi32>
    %shift_right_logical3A_54 = arith.shrui %xor3A_47, %shift_right_logical3A_53 : vector<512x1024xi32>
    %or3A_55 = arith.ori %shift_left3A_51, %shift_right_logical3A_54 : vector<512x1024xi32>
    %xor3A_56 = arith.xori %or3A_55, %add3A_48 : vector<512x1024xi32>
    %add3A_57 = arith.constant 42 : i32
    %add3A_58 = vector.broadcast %add3A_57 : i32 to vector<512x1024xi32>
    %add3A_59 = arith.addi %add3A_48, %add3A_58 : vector<512x1024xi32>
    %add3A_60 = arith.constant 466689009 : i32
    %add3A_61 = vector.broadcast %add3A_60 : i32 to vector<512x1024xi32>
    %add3A_62 = arith.addi %xor3A_56, %add3A_61 : vector<512x1024xi32>
    %add3A_63 = arith.addi %add3A_59, %add3A_62 : vector<512x1024xi32>
    %shift_left3A_64 = arith.constant 17 : i32
    %shift_left3A_65 = vector.broadcast %shift_left3A_64 : i32 to vector<512x1024xi32>
    %shift_left3A_66 = arith.shli %add3A_62, %shift_left3A_65 : vector<512x1024xi32>
    %shift_right_logical3A_67 = arith.constant 15 : i32
    %shift_right_logical3A_68 = vector.broadcast %shift_right_logical3A_67 : i32 to vector<512x1024xi32>
    %shift_right_logical3A_69 = arith.shrui %add3A_62, %shift_right_logical3A_68 : vector<512x1024xi32>
    %or3A_70 = arith.ori %shift_left3A_66, %shift_right_logical3A_69 : vector<512x1024xi32>
    %xor3A_71 = arith.xori %or3A_70, %add3A_63 : vector<512x1024xi32>
    %add3A_72 = arith.addi %add3A_63, %xor3A_71 : vector<512x1024xi32>
    %shift_left3A_73 = arith.constant 29 : i32
    %shift_left3A_74 = vector.broadcast %shift_left3A_73 : i32 to vector<512x1024xi32>
    %shift_left3A_75 = arith.shli %xor3A_71, %shift_left3A_74 : vector<512x1024xi32>
    %shift_right_logical3A_76 = arith.constant 3 : i32
    %shift_right_logical3A_77 = vector.broadcast %shift_right_logical3A_76 : i32 to vector<512x1024xi32>
    %shift_right_logical3A_78 = arith.shrui %xor3A_71, %shift_right_logical3A_77 : vector<512x1024xi32>
    %or3A_79 = arith.ori %shift_left3A_75, %shift_right_logical3A_78 : vector<512x1024xi32>
    %xor3A_80 = arith.xori %or3A_79, %add3A_72 : vector<512x1024xi32>
    %add3A_81 = arith.addi %add3A_72, %xor3A_80 : vector<512x1024xi32>
    %shift_left3A_82 = arith.constant 16 : i32
    %shift_left3A_83 = vector.broadcast %shift_left3A_82 : i32 to vector<512x1024xi32>
    %shift_left3A_84 = arith.shli %xor3A_80, %shift_left3A_83 : vector<512x1024xi32>
    %shift_right_logical3A_85 = arith.constant 16 : i32
    %shift_right_logical3A_86 = vector.broadcast %shift_right_logical3A_85 : i32 to vector<512x1024xi32>
    %shift_right_logical3A_87 = arith.shrui %xor3A_80, %shift_right_logical3A_86 : vector<512x1024xi32>
    %or3A_88 = arith.ori %shift_left3A_84, %shift_right_logical3A_87 : vector<512x1024xi32>
    %xor3A_89 = arith.xori %or3A_88, %add3A_81 : vector<512x1024xi32>
    %add3A_90 = arith.addi %add3A_81, %xor3A_89 : vector<512x1024xi32>
    %shift_left3A_91 = arith.constant 24 : i32
    %shift_left3A_92 = vector.broadcast %shift_left3A_91 : i32 to vector<512x1024xi32>
    %shift_left3A_93 = arith.shli %xor3A_89, %shift_left3A_92 : vector<512x1024xi32>
    %shift_right_logical3A_94 = arith.constant 8 : i32
    %shift_right_logical3A_95 = vector.broadcast %shift_right_logical3A_94 : i32 to vector<512x1024xi32>
    %shift_right_logical3A_96 = arith.shrui %xor3A_89, %shift_right_logical3A_95 : vector<512x1024xi32>
    %or3A_97 = arith.ori %shift_left3A_93, %shift_right_logical3A_96 : vector<512x1024xi32>
    %xor3A_98 = arith.xori %or3A_97, %add3A_90 : vector<512x1024xi32>
    %add3A_99 = arith.constant 466689008 : i32
    %add3A_100 = vector.broadcast %add3A_99 : i32 to vector<512x1024xi32>
    %add3A_101 = arith.addi %add3A_90, %add3A_100 : vector<512x1024xi32>
    %add3A_102 = arith.constant 2 : i32
    %add3A_103 = vector.broadcast %add3A_102 : i32 to vector<512x1024xi32>
    %add3A_104 = arith.addi %xor3A_98, %add3A_103 : vector<512x1024xi32>
    %add3A_105 = arith.addi %add3A_101, %add3A_104 : vector<512x1024xi32>
    %shift_left3A_106 = arith.constant 13 : i32
    %shift_left3A_107 = vector.broadcast %shift_left3A_106 : i32 to vector<512x1024xi32>
    %shift_left3A_108 = arith.shli %add3A_104, %shift_left3A_107 : vector<512x1024xi32>
    %shift_right_logical3A_109 = arith.constant 19 : i32
    %shift_right_logical3A_110 = vector.broadcast %shift_right_logical3A_109 : i32 to vector<512x1024xi32>
    %shift_right_logical3A_111 = arith.shrui %add3A_104, %shift_right_logical3A_110 : vector<512x1024xi32>
    %or3A_112 = arith.ori %shift_left3A_108, %shift_right_logical3A_111 : vector<512x1024xi32>
    %xor3A_113 = arith.xori %or3A_112, %add3A_105 : vector<512x1024xi32>
    %add3A_114 = arith.addi %add3A_105, %xor3A_113 : vector<512x1024xi32>
    %shift_left3A_115 = arith.constant 15 : i32
    %shift_left3A_116 = vector.broadcast %shift_left3A_115 : i32 to vector<512x1024xi32>
    %shift_left3A_117 = arith.shli %xor3A_113, %shift_left3A_116 : vector<512x1024xi32>
    %shift_right_logical3A_118 = arith.constant 17 : i32
    %shift_right_logical3A_119 = vector.broadcast %shift_right_logical3A_118 : i32 to vector<512x1024xi32>
    %shift_right_logical3A_120 = arith.shrui %xor3A_113, %shift_right_logical3A_119 : vector<512x1024xi32>
    %or3A_121 = arith.ori %shift_left3A_117, %shift_right_logical3A_120 : vector<512x1024xi32>
    %xor3A_122 = arith.xori %or3A_121, %add3A_114 : vector<512x1024xi32>
    %add3A_123 = arith.addi %add3A_114, %xor3A_122 : vector<512x1024xi32>
    %shift_left3A_124 = arith.constant 26 : i32
    %shift_left3A_125 = vector.broadcast %shift_left3A_124 : i32 to vector<512x1024xi32>
    %shift_left3A_126 = arith.shli %xor3A_122, %shift_left3A_125 : vector<512x1024xi32>
    %shift_right_logical3A_127 = arith.constant 6 : i32
    %shift_right_logical3A_128 = vector.broadcast %shift_right_logical3A_127 : i32 to vector<512x1024xi32>
    %shift_right_logical3A_129 = arith.shrui %xor3A_122, %shift_right_logical3A_128 : vector<512x1024xi32>
    %or3A_130 = arith.ori %shift_left3A_126, %shift_right_logical3A_129 : vector<512x1024xi32>
    %xor3A_131 = arith.xori %or3A_130, %add3A_123 : vector<512x1024xi32>
    %add3A_132 = arith.addi %add3A_123, %xor3A_131 : vector<512x1024xi32>
    %shift_left3A_133 = arith.constant 6 : i32
    %shift_left3A_134 = vector.broadcast %shift_left3A_133 : i32 to vector<512x1024xi32>
    %shift_left3A_135 = arith.shli %xor3A_131, %shift_left3A_134 : vector<512x1024xi32>
    %shift_right_logical3A_136 = arith.constant 26 : i32
    %shift_right_logical3A_137 = vector.broadcast %shift_right_logical3A_136 : i32 to vector<512x1024xi32>
    %shift_right_logical3A_138 = arith.shrui %xor3A_131, %shift_right_logical3A_137 : vector<512x1024xi32>
    %or3A_139 = arith.ori %shift_left3A_135, %shift_right_logical3A_138 : vector<512x1024xi32>
    %xor3A_140 = arith.xori %or3A_139, %add3A_132 : vector<512x1024xi32>
    %add3A_141 = arith.constant 0 : i32
    %add3A_142 = vector.broadcast %add3A_141 : i32 to vector<512x1024xi32>
    %add3A_143 = arith.addi %add3A_132, %add3A_142 : vector<512x1024xi32>
    %add3A_144 = arith.constant 45 : i32
    %add3A_145 = vector.broadcast %add3A_144 : i32 to vector<512x1024xi32>
    %add3A_146 = arith.addi %xor3A_140, %add3A_145 : vector<512x1024xi32>
    %add3A_147 = arith.addi %add3A_143, %add3A_146 : vector<512x1024xi32>
    %shift_left3A_148 = arith.constant 17 : i32
    %shift_left3A_149 = vector.broadcast %shift_left3A_148 : i32 to vector<512x1024xi32>
    %shift_left3A_150 = arith.shli %add3A_146, %shift_left3A_149 : vector<512x1024xi32>
    %shift_right_logical3A_151 = arith.constant 15 : i32
    %shift_right_logical3A_152 = vector.broadcast %shift_right_logical3A_151 : i32 to vector<512x1024xi32>
    %shift_right_logical3A_153 = arith.shrui %add3A_146, %shift_right_logical3A_152 : vector<512x1024xi32>
    %or3A_154 = arith.ori %shift_left3A_150, %shift_right_logical3A_153 : vector<512x1024xi32>
    %xor3A_155 = arith.xori %or3A_154, %add3A_147 : vector<512x1024xi32>
    %add3A_156 = arith.addi %add3A_147, %xor3A_155 : vector<512x1024xi32>
    %shift_left3A_157 = arith.constant 29 : i32
    %shift_left3A_158 = vector.broadcast %shift_left3A_157 : i32 to vector<512x1024xi32>
    %shift_left3A_159 = arith.shli %xor3A_155, %shift_left3A_158 : vector<512x1024xi32>
    %shift_right_logical3A_160 = arith.constant 3 : i32
    %shift_right_logical3A_161 = vector.broadcast %shift_right_logical3A_160 : i32 to vector<512x1024xi32>
    %shift_right_logical3A_162 = arith.shrui %xor3A_155, %shift_right_logical3A_161 : vector<512x1024xi32>
    %or3A_163 = arith.ori %shift_left3A_159, %shift_right_logical3A_162 : vector<512x1024xi32>
    %xor3A_164 = arith.xori %or3A_163, %add3A_156 : vector<512x1024xi32>
    %add3A_165 = arith.addi %add3A_156, %xor3A_164 : vector<512x1024xi32>
    %shift_left3A_166 = arith.constant 16 : i32
    %shift_left3A_167 = vector.broadcast %shift_left3A_166 : i32 to vector<512x1024xi32>
    %shift_left3A_168 = arith.shli %xor3A_164, %shift_left3A_167 : vector<512x1024xi32>
    %shift_right_logical3A_169 = arith.constant 16 : i32
    %shift_right_logical3A_170 = vector.broadcast %shift_right_logical3A_169 : i32 to vector<512x1024xi32>
    %shift_right_logical3A_171 = arith.shrui %xor3A_164, %shift_right_logical3A_170 : vector<512x1024xi32>
    %or3A_172 = arith.ori %shift_left3A_168, %shift_right_logical3A_171 : vector<512x1024xi32>
    %xor3A_173 = arith.xori %or3A_172, %add3A_165 : vector<512x1024xi32>
    %add3A_174 = arith.addi %add3A_165, %xor3A_173 : vector<512x1024xi32>
    %shift_left3A_175 = arith.constant 24 : i32
    %shift_left3A_176 = vector.broadcast %shift_left3A_175 : i32 to vector<512x1024xi32>
    %shift_left3A_177 = arith.shli %xor3A_173, %shift_left3A_176 : vector<512x1024xi32>
    %shift_right_logical3A_178 = arith.constant 8 : i32
    %shift_right_logical3A_179 = vector.broadcast %shift_right_logical3A_178 : i32 to vector<512x1024xi32>
    %shift_right_logical3A_180 = arith.shrui %xor3A_173, %shift_right_logical3A_179 : vector<512x1024xi32>
    %or3A_181 = arith.ori %shift_left3A_177, %shift_right_logical3A_180 : vector<512x1024xi32>
    %xor3A_182 = arith.xori %or3A_181, %add3A_174 : vector<512x1024xi32>
    %add3A_183 = arith.constant 42 : i32
    %add3A_184 = vector.broadcast %add3A_183 : i32 to vector<512x1024xi32>
    %add3A_185 = arith.addi %add3A_174, %add3A_184 : vector<512x1024xi32>
    %add3A_186 = arith.constant 466689012 : i32
    %add3A_187 = vector.broadcast %add3A_186 : i32 to vector<512x1024xi32>
    %add3A_188 = arith.addi %xor3A_182, %add3A_187 : vector<512x1024xi32>
    %add3A_189 = arith.addi %add3A_185, %add3A_188 : vector<512x1024xi32>
    %shift_left3A_190 = arith.constant 13 : i32
    %shift_left3A_191 = vector.broadcast %shift_left3A_190 : i32 to vector<512x1024xi32>
    %shift_left3A_192 = arith.shli %add3A_188, %shift_left3A_191 : vector<512x1024xi32>
    %shift_right_logical3A_193 = arith.constant 19 : i32
    %shift_right_logical3A_194 = vector.broadcast %shift_right_logical3A_193 : i32 to vector<512x1024xi32>
    %shift_right_logical3A_195 = arith.shrui %add3A_188, %shift_right_logical3A_194 : vector<512x1024xi32>
    %or3A_196 = arith.ori %shift_left3A_192, %shift_right_logical3A_195 : vector<512x1024xi32>
    %xor3A_197 = arith.xori %or3A_196, %add3A_189 : vector<512x1024xi32>
    %add3A_198 = arith.addi %add3A_189, %xor3A_197 : vector<512x1024xi32>
    %shift_left3A_199 = arith.constant 15 : i32
    %shift_left3A_200 = vector.broadcast %shift_left3A_199 : i32 to vector<512x1024xi32>
    %shift_left3A_201 = arith.shli %xor3A_197, %shift_left3A_200 : vector<512x1024xi32>
    %shift_right_logical3A_202 = arith.constant 17 : i32
    %shift_right_logical3A_203 = vector.broadcast %shift_right_logical3A_202 : i32 to vector<512x1024xi32>
    %shift_right_logical3A_204 = arith.shrui %xor3A_197, %shift_right_logical3A_203 : vector<512x1024xi32>
    %or3A_205 = arith.ori %shift_left3A_201, %shift_right_logical3A_204 : vector<512x1024xi32>
    %xor3A_206 = arith.xori %or3A_205, %add3A_198 : vector<512x1024xi32>
    %add3A_207 = arith.addi %add3A_198, %xor3A_206 : vector<512x1024xi32>
    %shift_left3A_208 = arith.constant 26 : i32
    %shift_left3A_209 = vector.broadcast %shift_left3A_208 : i32 to vector<512x1024xi32>
    %shift_left3A_210 = arith.shli %xor3A_206, %shift_left3A_209 : vector<512x1024xi32>
    %shift_right_logical3A_211 = arith.constant 6 : i32
    %shift_right_logical3A_212 = vector.broadcast %shift_right_logical3A_211 : i32 to vector<512x1024xi32>
    %shift_right_logical3A_213 = arith.shrui %xor3A_206, %shift_right_logical3A_212 : vector<512x1024xi32>
    %or3A_214 = arith.ori %shift_left3A_210, %shift_right_logical3A_213 : vector<512x1024xi32>
    %xor3A_215 = arith.xori %or3A_214, %add3A_207 : vector<512x1024xi32>
    %add3A_216 = arith.addi %add3A_207, %xor3A_215 : vector<512x1024xi32>
    %shift_left3A_217 = arith.constant 6 : i32
    %shift_left3A_218 = vector.broadcast %shift_left3A_217 : i32 to vector<512x1024xi32>
    %shift_left3A_219 = arith.shli %xor3A_215, %shift_left3A_218 : vector<512x1024xi32>
    %shift_right_logical3A_220 = arith.constant 26 : i32
    %shift_right_logical3A_221 = vector.broadcast %shift_right_logical3A_220 : i32 to vector<512x1024xi32>
    %shift_right_logical3A_222 = arith.shrui %xor3A_215, %shift_right_logical3A_221 : vector<512x1024xi32>
    %or3A_223 = arith.ori %shift_left3A_219, %shift_right_logical3A_222 : vector<512x1024xi32>
    %xor3A_224 = arith.xori %or3A_223, %add3A_216 : vector<512x1024xi32>
    %add3A_225 = arith.constant 466689008 : i32
    %add3A_226 = vector.broadcast %add3A_225 : i32 to vector<512x1024xi32>
    %add3A_227 = arith.addi %add3A_216, %add3A_226 : vector<512x1024xi32>
    %add3A_228 = arith.constant 5 : i32
    %add3A_229 = vector.broadcast %add3A_228 : i32 to vector<512x1024xi32>
    %add3A_230 = arith.addi %xor3A_224, %add3A_229 : vector<512x1024xi32>
    %xor3A_231 = arith.xori %add3A_227, %add3A_230 : vector<512x1024xi32>
    %shift_right_logical3A_232 = arith.constant 9 : i32
    %shift_right_logical3A_233 = vector.broadcast %shift_right_logical3A_232 : i32 to vector<512x1024xi32>
    %shift_right_logical3A_234 = arith.shrui %xor3A_231, %shift_right_logical3A_233 : vector<512x1024xi32>
    %or3A_235 = arith.constant 1065353216 : i32
    %or3A_236 = vector.broadcast %or3A_235 : i32 to vector<512x1024xi32>
    %or3A_237 = arith.ori %shift_right_logical3A_234, %or3A_236 : vector<512x1024xi32>
    %bitcast_convert_type3A = tpu.bitcast %or3A_237 : vector<512x1024xi32> -> vector<512x1024xf32>
    %sub3A = arith.constant 1.000000e+00 : f32
    %sub3A_238 = vector.broadcast %sub3A : f32 to vector<512x1024xf32>
    %sub3A_239 = arith.subf %bitcast_convert_type3A, %sub3A_238 : vector<512x1024xf32>
    %max3A = arith.constant 1.17549435E-38 : f32
    %max3A_240 = vector.broadcast %max3A : f32 to vector<512x1024xf32>
    %max3A_241 = arith.maximumf %max3A_240, %sub3A_239 : vector<512x1024xf32>
    %log3A = math.log %max3A_241 : vector<512x1024xf32>
    %neg3A = arith.constant 0.000000e+00 : f32
    %neg3A_242 = vector.broadcast %neg3A : f32 to vector<512x1024xf32>
    %neg3A_243 = arith.subf %neg3A_242, %log3A : vector<512x1024xf32>
    %log3A_244 = math.log %neg3A_243 : vector<512x1024xf32>
    %neg3A_245 = arith.constant 0.000000e+00 : f32
    %neg3A_246 = vector.broadcast %neg3A_245 : f32 to vector<512x1024xf32>
    %neg3A_247 = arith.subf %neg3A_246, %log3A_244 : vector<512x1024xf32>
    %add3A_248 = arith.addf %add3A, %neg3A_247 : vector<512x1024xf32>
    %reduce_max3A = arith.constant dense<0xFF800000> : vector<512xf32>
    %reduce_max3A_249 = vector.multi_reduction <maximumf>, %add3A_248, %reduce_max3A [1] : vector<512x1024xf32> to vector<512xf32>
    %broadcast_in_dim3A = vector.shape_cast %reduce_max3A_249 : vector<512xf32> to vector<512x1xf32>
    %eq3A_250 = vector.broadcast %broadcast_in_dim3A : vector<512x1xf32> to vector<512x1024xf32>
    %eq3A_251 = arith.cmpf oeq, %add3A_248, %eq3A_250 : vector<512x1024xf32>
    %jit3A = arith.constant 1024 : i32
    %broadcast_in_dim3A_252 = vector.broadcast %jit3A : i32 to vector<512x1024xi32>
    %select_n3A = arith.select %eq3A_251, %iota3A, %broadcast_in_dim3A_252 : vector<512x1024xi1>, vector<512x1024xi32>
    %reduce_min3A = arith.constant dense<2147483647> : vector<512xi32>
    %reduce_min3A_253 = vector.multi_reduction <minsi>, %select_n3A, %reduce_min3A [1] : vector<512x1024xi32> to vector<512xi32>
    %broadcast_in_dim3A_254 = vector.shape_cast %reduce_min3A_253 : vector<512xi32> to vector<512x1xi32>
    %swap3A = arith.constant 0 : index
    %swap3A_255 = arith.constant 0 : index
    %swap3A_256 = arith.constant 0 : index
    %swap3A_257 = vector.load %arg5[%swap3A, %swap3A_255, %swap3A_256] : memref<1x512x1xi32, #tpu.memory_space<vmem>>, vector<1x512x1xi32>
    %swap3A_258 = vector.shape_cast %swap3A_257 : vector<1x512x1xi32> to vector<512x1xi32>
    %swap3A_259 = vector.shape_cast %broadcast_in_dim3A_254 : vector<512x1xi32> to vector<1x512x1xi32>
    tpu.vector_store %arg5[%swap3A, %swap3A_255, %swap3A_256], %swap3A_259 {strides = array<i32>} : memref<1x512x1xi32, #tpu.memory_space<vmem>>, vector<1x512x1xi32>,
    %reduce_max3A_260 = arith.constant dense<0xFF800000> : vector<512xf32>
    %reduce_max3A_261 = vector.multi_reduction <maximumf>, %add3A, %reduce_max3A_260 [1] : vector<512x1024xf32> to vector<512xf32>
    %broadcast_in_dim3A_262 = vector.shape_cast %reduce_max3A_261 : vector<512xf32> to vector<512x1xf32>
    %sub3A_263 = vector.broadcast %broadcast_in_dim3A_262 : vector<512x1xf32> to vector<512x1024xf32>
    %sub3A_264 = arith.subf %add3A, %sub3A_263 : vector<512x1024xf32>
    %exp3A = math.exp %sub3A_264 : vector<512x1024xf32>
    %reduce_sum3A = arith.constant dense<0.000000e+00> : vector<512xf32>
    %reduce_sum3A_265 = vector.multi_reduction <add>, %exp3A, %reduce_sum3A [1] : vector<512x1024xf32> to vector<512xf32>
    %broadcast_in_dim3A_266 = vector.shape_cast %reduce_sum3A_265 : vector<512xf32> to vector<512x1xf32>
    %log3A_267 = math.log %broadcast_in_dim3A_266 : vector<512x1xf32>
    %add3A_268 = arith.addf %broadcast_in_dim3A_262, %log3A_267 : vector<512x1xf32>
    %get3A_269 = arith.constant 0 : index
    %get3A_270 = arith.constant 0 : index
    %get3A_271 = memref.load %arg7[%get3A_269, %get3A_270] : memref<1x1xf32, #tpu.memory_space<smem>>
    %reduce_sum3A_272 = vector.shape_cast %add3A_268 : vector<512x1xf32> to vector<1x512x1xf32>
    %reduce_sum3A_273 = arith.constant dense<0.000000e+00> : vector<1xf32>
    %reduce_sum3A_274 = vector.multi_reduction <add>, %reduce_sum3A_272, %reduce_sum3A_273 [1, 2] : vector<1x512x1xf32> to vector<1xf32>
    %reduce_sum3A_275 = vector.shape_cast %reduce_sum3A_274 : vector<1xf32> to vector<1x1x1xf32>
    %reduce_sum3A_276 = vector.extract %reduce_sum3A_275[0, 0, 0] : f32 from vector<1x1x1xf32>
    %add3A_277 = arith.addf %get3A_271, %reduce_sum3A_276 : f32
    %swap3A_278 = arith.constant 0 : index
    %swap3A_279 = arith.constant 0 : index
    %swap3A_280 = memref.load %arg7[%swap3A_278, %swap3A_279] : memref<1x1xf32, #tpu.memory_space<smem>>
    memref.store %add3A_277, %arg7[%swap3A_278, %swap3A_279] : memref<1x1xf32, #tpu.memory_space<smem>>
    %get3A_281 = arith.constant 0 : index
    %get3A_282 = arith.constant 0 : index
    %get3A_283 = memref.load %arg7[%get3A_281, %get3A_282] : memref<1x1xf32, #tpu.memory_space<smem>>
    %broadcast_in_dim3A_284 = vector.broadcast %get3A_283 : f32 to vector<1x1xf32>
    %swap3A_285 = arith.constant 0 : index
    %swap3A_286 = arith.constant 0 : index
    %swap3A_287 = vector.load %arg6[%swap3A_285, %swap3A_286] : memref<1x1xf32, #tpu.memory_space<vmem>>, vector<1x1xf32>
    tpu.vector_store %arg6[%swap3A_285, %swap3A_286], %broadcast_in_dim3A_284 {strides = array<i32>} : memref<1x1xf32, #tpu.memory_space<vmem>>, vector<1x1xf32>,
    return
  }
  func.func @transform_0(%arg0: i32) -> (i32, i32) {
    %c0_i32 = arith.constant 0 : i32
    %c0_i32_0 = arith.constant 0 : i32
    %c0_i32_1 = arith.constant 0 : i32
    return %c0_i32, %c0_i32_0 : i32, i32
  }
  func.func @transform_1(%arg0: i32) -> (i32, i32, i32) {
    %c0_i32 = arith.constant 0 : i32
    %c0_i32_0 = arith.constant 0 : i32
    %c0_i32_1 = arith.constant 0 : i32
    return %arg0, %c0_i32, %c0_i32_0 : i32, i32, i32
  }
  func.func @transform_2(%arg0: i32) -> (i32, i32) {
    %c0_i32 = arith.constant 0 : i32
    %c0_i32_0 = arith.constant 0 : i32
    %c0_i32_1 = arith.constant 0 : i32
    return %c0_i32, %c0_i32_0 : i32, i32
  }
  func.func @transform_3(%arg0: i32) -> (i32, i32) {
    %c0_i32 = arith.constant 0 : i32
    %c0_i32_0 = arith.constant 0 : i32
    %c0_i32_1 = arith.constant 0 : i32
    return %c0_i32, %c0_i32_0 : i32, i32
  }
  func.func @transform_4(%arg0: i32) -> (i32, i32, i32) {
    %c0_i32 = arith.constant 0 : i32
    %c0_i32_0 = arith.constant 0 : i32
    %c0_i32_1 = arith.constant 0 : i32
    return %arg0, %c0_i32, %c0_i32_0 : i32, i32, i32
  }
  func.func @transform_5(%arg0: i32) -> (i32, i32) {
    %c0_i32 = arith.constant 0 : i32
    %c0_i32_0 = arith.constant 0 : i32
    %c0_i32_1 = arith.constant 0 : i32
    return %c0_i32, %c0_i32_0 : i32, i32
  }
}

module attributes {stable_mosaic.version = 14 : i64} {
  func.func @_body(%arg0: i32, %arg1: memref<1x512x1024xi32, #tpu.memory_space<vmem>>, %arg2: memref<1x512x1xi32, #tpu.memory_space<vmem>>, %arg3: memref<1024x1024xbf16, #tpu.memory_space<vmem>>, %arg4: memref<1024x1024xbf16, #tpu.memory_space<vmem>>, %arg5: memref<1x512x1xi32, #tpu.memory_space<vmem>>, %arg6: memref<1x1xf32, #tpu.memory_space<vmem>>, %arg7: memref<1x1xf32, #tpu.memory_space<smem>>) attributes {dimension_semantics = [#tpu.dimension_semantics<arbitrary>], iteration_bounds = array<i64: 44>, scalar_prefetch = 0 : i64, scratch_operands = 1 : i64, tpu.core_type = #tpu.core_type<tc>, window_params = [{transform_indices = @transform_0, window_bounds = array<i64: 1, 512, 1024>}, {transform_indices = @transform_1, window_bounds = array<i64: 1, 512, 1>}, {pipeline_mode = #tpu.pipeline_mode<synchronous>, transform_indices = @transform_2, window_bounds = array<i64: 1024, 1024>}, {pipeline_mode = #tpu.pipeline_mode<synchronous>, transform_indices = @transform_3, window_bounds = array<i64: 1024, 1024>}, {transform_indices = @transform_4, window_bounds = array<i64: 1, 512, 1>}, {pipeline_mode = #tpu.pipeline_mode<synchronous>, transform_indices = @transform_5, window_bounds = array<i64: 1, 1>}]} {
    %iota3A = tpu.iota {dimensions = array<i32: 1>} : vector<512x1024xi32>
    %eq3A = arith.constant 0 : i32
    %eq3A_0 = arith.cmpi eq, %arg0, %eq3A : i32
    %convert_element_type3A = arith.extui %eq3A_0 : i1 to i32
    %cond3A = arith.constant 0 : i32
    %cond3A_1 = arith.cmpi ne, %convert_element_type3A, %cond3A : i32
    scf.if %cond3A_1 {
      %swap3A_79 = arith.constant 0.000000e+00 : f32
      %swap3A_80 = arith.constant 0 : index
      %swap3A_81 = arith.constant 0 : index
      %swap3A_82 = memref.load %arg7[%swap3A_80, %swap3A_81] : memref<1x1xf32, #tpu.memory_space<smem>>
      memref.store %swap3A_79, %arg7[%swap3A_80, %swap3A_81] : memref<1x1xf32, #tpu.memory_space<smem>>
    } else {
    }
    %get3A = arith.constant 0 : index
    %get3A_2 = arith.constant 0 : index
    %get3A_3 = arith.constant 0 : index
    %get3A_4 = vector.load %arg2[%get3A, %get3A_2, %get3A_3] : memref<1x512x1xi32, #tpu.memory_space<vmem>>, vector<1x512x1xi32>
    %get3A_5 = vector.shape_cast %get3A_4 : vector<1x512x1xi32> to vector<512x1xi32>
    %eq3A_6 = vector.broadcast %get3A_5 : vector<512x1xi32> to vector<512x1024xi32>
    %eq3A_7 = arith.cmpi eq, %iota3A, %eq3A_6 : vector<512x1024xi32>
    %convert_element_type3A_8 = arith.extui %eq3A_7 : vector<512x1024xi1> to vector<512x1024xi32>
    %convert_element_type3A_9 = arith.sitofp %convert_element_type3A_8 : vector<512x1024xi32> to vector<512x1024xf32>
    %convert_element_type3A_10 = arith.truncf %convert_element_type3A_9 : vector<512x1024xf32> to vector<512x1024xbf16>
    %get3A_11 = arith.constant 0 : index
    %get3A_12 = arith.constant 0 : index
    %get3A_13 = vector.load %arg3[%get3A_11, %get3A_12] : memref<1024x1024xbf16, #tpu.memory_space<vmem>>, vector<1024x1024xbf16>
    %dot_general3A = arith.constant dense<0.000000e+00> : vector<512x1024xf32>
    %dot_general3A_14 = tpu.matmul %convert_element_type3A_10, %get3A_13, %dot_general3A {dimension_numbers = #tpu.dot_dimension_numbers<[1], [0], [0], [1], [0, 0, 1, 1], [], []>, transpose_lhs_hint = false} : vector<512x1024xbf16>, vector<1024x1024xbf16>, vector<512x1024xf32> -> vector<512x1024xf32>
    %get3A_15 = arith.constant 0 : index
    %get3A_16 = arith.constant 0 : index
    %get3A_17 = vector.load %arg4[%get3A_15, %get3A_16] : memref<1024x1024xbf16, #tpu.memory_space<vmem>>, vector<1024x1024xbf16>
    %dot_general3A_18 = arith.constant dense<0.000000e+00> : vector<512x1024xf32>
    %dot_general3A_19 = tpu.matmul %convert_element_type3A_10, %get3A_17, %dot_general3A_18 {dimension_numbers = #tpu.dot_dimension_numbers<[1], [0], [0], [1], [0, 0, 1, 1], [], []>, transpose_lhs_hint = false} : vector<512x1024xbf16>, vector<1024x1024xbf16>, vector<512x1024xf32> -> vector<512x1024xf32>
    %add3A = arith.addf %dot_general3A_14, %dot_general3A_19 : vector<512x1024xf32>
    %get3A_20 = arith.constant 0 : index
    %get3A_21 = arith.constant 0 : index
    %get3A_22 = arith.constant 0 : index
    %get3A_23 = vector.load %arg1[%get3A_20, %get3A_21, %get3A_22] : memref<1x512x1024xi32, #tpu.memory_space<vmem>>, vector<1x512x1024xi32>
    %get3A_24 = vector.shape_cast %get3A_23 : vector<1x512x1024xi32> to vector<512x1024xi32>
    %shift_right_logical3A = arith.constant 9 : i32
    %shift_right_logical3A_25 = vector.broadcast %shift_right_logical3A : i32 to vector<512x1024xi32>
    %shift_right_logical3A_26 = arith.shrui %get3A_24, %shift_right_logical3A_25 : vector<512x1024xi32>
    %or3A = arith.constant 1065353216 : i32
    %or3A_27 = vector.broadcast %or3A : i32 to vector<512x1024xi32>
    %or3A_28 = arith.ori %shift_right_logical3A_26, %or3A_27 : vector<512x1024xi32>
    %bitcast_convert_type3A = tpu.bitcast %or3A_28 : vector<512x1024xi32> -> vector<512x1024xf32>
    %sub3A = arith.constant 1.000000e+00 : f32
    %sub3A_29 = vector.broadcast %sub3A : f32 to vector<512x1024xf32>
    %sub3A_30 = arith.subf %bitcast_convert_type3A, %sub3A_29 : vector<512x1024xf32>
    %max3A = arith.constant 1.17549435E-38 : f32
    %max3A_31 = vector.broadcast %max3A : f32 to vector<512x1024xf32>
    %max3A_32 = arith.maximumf %max3A_31, %sub3A_30 : vector<512x1024xf32>
    %log3A = math.log %max3A_32 : vector<512x1024xf32>
    %neg3A = arith.constant 0.000000e+00 : f32
    %neg3A_33 = vector.broadcast %neg3A : f32 to vector<512x1024xf32>
    %neg3A_34 = arith.subf %neg3A_33, %log3A : vector<512x1024xf32>
    %log3A_35 = math.log %neg3A_34 : vector<512x1024xf32>
    %neg3A_36 = arith.constant 0.000000e+00 : f32
    %neg3A_37 = vector.broadcast %neg3A_36 : f32 to vector<512x1024xf32>
    %neg3A_38 = arith.subf %neg3A_37, %log3A_35 : vector<512x1024xf32>
    %add3A_39 = arith.addf %add3A, %neg3A_38 : vector<512x1024xf32>
    %reduce_max3A = arith.constant dense<0xFF800000> : vector<512xf32>
    %reduce_max3A_40 = vector.multi_reduction <maximumf>, %add3A_39, %reduce_max3A [1] : vector<512x1024xf32> to vector<512xf32>
    %broadcast_in_dim3A = vector.shape_cast %reduce_max3A_40 : vector<512xf32> to vector<512x1xf32>
    %eq3A_41 = vector.broadcast %broadcast_in_dim3A : vector<512x1xf32> to vector<512x1024xf32>
    %eq3A_42 = arith.cmpf oeq, %add3A_39, %eq3A_41 : vector<512x1024xf32>
    %jit3A = arith.constant 1024 : i32
    %broadcast_in_dim3A_43 = vector.broadcast %jit3A : i32 to vector<512x1024xi32>
    %select_n3A = arith.select %eq3A_42, %iota3A, %broadcast_in_dim3A_43 : vector<512x1024xi1>, vector<512x1024xi32>
    %reduce_min3A = arith.constant dense<2147483647> : vector<512xi32>
    %reduce_min3A_44 = vector.multi_reduction <minsi>, %select_n3A, %reduce_min3A [1] : vector<512x1024xi32> to vector<512xi32>
    %broadcast_in_dim3A_45 = vector.shape_cast %reduce_min3A_44 : vector<512xi32> to vector<512x1xi32>
    %swap3A = arith.constant 0 : index
    %swap3A_46 = arith.constant 0 : index
    %swap3A_47 = arith.constant 0 : index
    %swap3A_48 = vector.load %arg5[%swap3A, %swap3A_46, %swap3A_47] : memref<1x512x1xi32, #tpu.memory_space<vmem>>, vector<1x512x1xi32>
    %swap3A_49 = vector.shape_cast %swap3A_48 : vector<1x512x1xi32> to vector<512x1xi32>
    %swap3A_50 = vector.shape_cast %broadcast_in_dim3A_45 : vector<512x1xi32> to vector<1x512x1xi32>
    tpu.vector_store %arg5[%swap3A, %swap3A_46, %swap3A_47], %swap3A_50 {strides = array<i32>} : memref<1x512x1xi32, #tpu.memory_space<vmem>>, vector<1x512x1xi32>,
    %reduce_max3A_51 = arith.constant dense<0xFF800000> : vector<512xf32>
    %reduce_max3A_52 = vector.multi_reduction <maximumf>, %add3A, %reduce_max3A_51 [1] : vector<512x1024xf32> to vector<512xf32>
    %broadcast_in_dim3A_53 = vector.shape_cast %reduce_max3A_52 : vector<512xf32> to vector<512x1xf32>
    %sub3A_54 = vector.broadcast %broadcast_in_dim3A_53 : vector<512x1xf32> to vector<512x1024xf32>
    %sub3A_55 = arith.subf %add3A, %sub3A_54 : vector<512x1024xf32>
    %exp3A = math.exp %sub3A_55 : vector<512x1024xf32>
    %reduce_sum3A = arith.constant dense<0.000000e+00> : vector<512xf32>
    %reduce_sum3A_56 = vector.multi_reduction <add>, %exp3A, %reduce_sum3A [1] : vector<512x1024xf32> to vector<512xf32>
    %broadcast_in_dim3A_57 = vector.shape_cast %reduce_sum3A_56 : vector<512xf32> to vector<512x1xf32>
    %log3A_58 = math.log %broadcast_in_dim3A_57 : vector<512x1xf32>
    %add3A_59 = arith.addf %broadcast_in_dim3A_53, %log3A_58 : vector<512x1xf32>
    %get3A_60 = arith.constant 0 : index
    %get3A_61 = arith.constant 0 : index
    %get3A_62 = memref.load %arg7[%get3A_60, %get3A_61] : memref<1x1xf32, #tpu.memory_space<smem>>
    %reduce_sum3A_63 = vector.shape_cast %add3A_59 : vector<512x1xf32> to vector<1x512x1xf32>
    %reduce_sum3A_64 = arith.constant dense<0.000000e+00> : vector<1xf32>
    %reduce_sum3A_65 = vector.multi_reduction <add>, %reduce_sum3A_63, %reduce_sum3A_64 [1, 2] : vector<1x512x1xf32> to vector<1xf32>
    %reduce_sum3A_66 = vector.shape_cast %reduce_sum3A_65 : vector<1xf32> to vector<1x1x1xf32>
    %reduce_sum3A_67 = vector.extract %reduce_sum3A_66[0, 0, 0] : f32 from vector<1x1x1xf32>
    %add3A_68 = arith.addf %get3A_62, %reduce_sum3A_67 : f32
    %swap3A_69 = arith.constant 0 : index
    %swap3A_70 = arith.constant 0 : index
    %swap3A_71 = memref.load %arg7[%swap3A_69, %swap3A_70] : memref<1x1xf32, #tpu.memory_space<smem>>
    memref.store %add3A_68, %arg7[%swap3A_69, %swap3A_70] : memref<1x1xf32, #tpu.memory_space<smem>>
    %get3A_72 = arith.constant 0 : index
    %get3A_73 = arith.constant 0 : index
    %get3A_74 = memref.load %arg7[%get3A_72, %get3A_73] : memref<1x1xf32, #tpu.memory_space<smem>>
    %broadcast_in_dim3A_75 = vector.broadcast %get3A_74 : f32 to vector<1x1xf32>
    %swap3A_76 = arith.constant 0 : index
    %swap3A_77 = arith.constant 0 : index
    %swap3A_78 = vector.load %arg6[%swap3A_76, %swap3A_77] : memref<1x1xf32, #tpu.memory_space<vmem>>, vector<1x1xf32>
    tpu.vector_store %arg6[%swap3A_76, %swap3A_77], %broadcast_in_dim3A_75 {strides = array<i32>} : memref<1x1xf32, #tpu.memory_space<vmem>>, vector<1x1xf32>,
    return
  }
  func.func @transform_0(%arg0: i32) -> (i32, i32, i32) {
    %c0_i32 = arith.constant 0 : i32
    %c0_i32_0 = arith.constant 0 : i32
    %c0_i32_1 = arith.constant 0 : i32
    return %arg0, %c0_i32, %c0_i32_0 : i32, i32, i32
  }
  func.func @transform_1(%arg0: i32) -> (i32, i32, i32) {
    %c0_i32 = arith.constant 0 : i32
    %c0_i32_0 = arith.constant 0 : i32
    %c0_i32_1 = arith.constant 0 : i32
    return %arg0, %c0_i32, %c0_i32_0 : i32, i32, i32
  }
  func.func @transform_2(%arg0: i32) -> (i32, i32) {
    %c0_i32 = arith.constant 0 : i32
    %c0_i32_0 = arith.constant 0 : i32
    %c0_i32_1 = arith.constant 0 : i32
    return %c0_i32, %c0_i32_0 : i32, i32
  }
  func.func @transform_3(%arg0: i32) -> (i32, i32) {
    %c0_i32 = arith.constant 0 : i32
    %c0_i32_0 = arith.constant 0 : i32
    %c0_i32_1 = arith.constant 0 : i32
    return %c0_i32, %c0_i32_0 : i32, i32
  }
  func.func @transform_4(%arg0: i32) -> (i32, i32, i32) {
    %c0_i32 = arith.constant 0 : i32
    %c0_i32_0 = arith.constant 0 : i32
    %c0_i32_1 = arith.constant 0 : i32
    return %arg0, %c0_i32, %c0_i32_0 : i32, i32, i32
  }
  func.func @transform_5(%arg0: i32) -> (i32, i32) {
    %c0_i32 = arith.constant 0 : i32
    %c0_i32_0 = arith.constant 0 : i32
    %c0_i32_1 = arith.constant 0 : i32
    return %c0_i32, %c0_i32_0 : i32, i32
  }
}

</mosaic_0001>

<sc_bundles>
// kernel: kernel.6.cloned.1.call-start
scs
__scs_entry_jumppad:
0x0: {  	(pc) =	sbr.rel $0x88, $3  }
0x1: {  	(tag) =	ssettag $0x0;
	lr =	simm.s32 $0x1  }
0x2: {  	[smem:$0x3F9E] =	sst lr;
	_ =	strace $0xD0000000  }
0x3: {  	_ = 	snop  }
0x4: {  	_ = 	snop  }
0x5: {  	_ = 	snop  }
0x6: {  	_ = 	snop  }
0x7: {  	_ = 	snop  }
__scs_overlays_trampoline_lowered:
0x8: {  	[smem:$0x3FAD] =	sst s0  }
0x9: {  	[smem:$0x3FAE] =	sst s1  }
0xa: {  	[smem:$0x3FAF] =	sst s2  }
0xb: {  	[smem:$0x3FB0] =	sst s3  }
0xc: {  	[smem:$0x3FB1] =	sst s4  }
0xd: {  	[smem:$0x3FB2] =	sst s5  }
0xe: {  	[smem:$0x3FB3] =	sst s6  }
0xf: {  	[smem:$0x3FB4] =	sst s7  }
0x10: {  	[smem:$0x3FB5] =	sst s8  }
0x11: {  	[smem:$0x3FB6] =	sst s9;
	s0 =	simm.s32 @!p0 $0x0  }
0x12: {  	s1 =	sld [smem:$0x3F9C];
	s0 =	simm.s32 @p0 $0x1  }
0x13: {  	[smem:$0x3FB7] =	sst s0;
	s0 =	simm.s32 @!p1 $0x0  }
0x14: {  	s2 =	sld [smem:$0x3F9B];
	s0 =	simm.s32 @p1 $0x1  }
0x15: {  	[smem:$0x3FB8] =	sst s0;
	s0 =	simm.s32 @!p2 $0x0  }
0x16: {  	s3 =	sld [smem:$0x3FDB];
	s0 =	simm.s32 @p2 $0x1  }
0x17: {  	s4 =	simm.s32 $0x1BF5;
	[smem:$0x3FBA] =	sst s0  }
0x18: {  	s0 =	sld [smem:$0x3F9D];
	_ =	swait.ge [sflag:s4], $0x0  }
0x19: {  	s7 =	sld [smem:$0x3F9E]  }
0x1a: {  	s8 =	sadd.s32 $0xFFFFE003, lr  }
0x1b: {  	s9 =	sadd.s32 $0xFFFFFEF7, lr;
	s5 =	simm.s32 $0xFFFFFFFF;
	p2 =	slt.u32 s8, $0xFFFFF086  }
0x1c: {  	p1 =	slt.u32 s9, $0xF7A;
	s5 =	simm.s32 @!p2 $0x0  }
0x1d: {  	s5 =	simm.s32 @p1 $0x1;
	p0 =	seq.s32 s7, s2  }
0x1e: {  	s7 =	smul.u32 @!p0 $0xF7A, s2;
	p2 =	seq.s32 @!p0 s5, $0x0  }
0x1f: {  	s9 =	smul.u32 $0xF7A, s1;
	s8 =	simm.s32 @!p0 $0x1BF5;
	p2 =	por !p2, p0  }
0x20: {  	[sflag:s8] =	ssyncset.s32 @!p0 $0xFFFFF086;
	s6 =	sadd.s32 @!p0 s3, s7;
	s7 =	simm.s32 @!p0 $0x108  }
0x21: {  	s3 =	sadd.s32 s3, s9;
	s6 =	sadd.s32 @!p0 $0x88, s6;
	s7 =	simm.s32 @p2 $0x1082  }
0x22: {  	[simem:s7], [sflag:s8] =	dma.local @!p0 [hbm:s6], $0xF7A  }
0x23: {  	s9 =	sor.u32 $0xD0000000, s2;
	s6 =	simm.s32 $0x108;
	_ =	swait.ge @!p0 [sflag:s8], $0x0  }
0x24: {  	s3 =	sadd.s32 $0x88, s3;
	s6 =	simm.s32 @!p1 $0x1082;
	[sflag:s4] =	ssyncset.s32 $0xFFFFF086  }
0x25: {  	[simem:s6], [sflag:s4] =	dma.local [hbm:s3], $0xF7A  }
0x26: {  	[smem:$0x3F9E] =	sst s1;
	(tag) =	ssettag s2;
	_ =	strace s9  }
0x27: {  	s1 =	sld [smem:$0x3FAE]  }
0x28: {  	s2 =	sld [smem:$0x3FAF]  }
0x29: {  	s4 =	sld [smem:$0x3FB1]  }
0x2a: {  	p0 =	seq.s32 s5, $0x0;
	s5 =	sld [smem:$0x3FB2]  }
0x2b: {  	s6 =	sld [smem:$0x3FB3]  }
0x2c: {  	s7 =	sld [smem:$0x3FB4]  }
0x2d: {  	s3 =	simm.s32 $0x108;
	s8 =	sld [smem:$0x3FB5]  }
0x2e: {  	s3 =	simm.s32 @!p0 $0x1082;
	s9 =	sld [smem:$0x3FB6]  }
0x2f: {  	lr =	sadd.s32 s0, s3;
	s0 =	sld [smem:$0x3FAD]  }
0x30: {  	s3 =	sld [smem:$0x3FB0]  }
0x31: {  	[smem:$0x3FB9] =	sst s10  }
0x32: {  	s10 =	sld [smem:$0x3FB7];
	_ =	sdelay $0x3  }
0x33: {  	p0 =	seq.s32 s10, $0x1;
	s10 =	sld [smem:$0x3FB9];
	_ =	sdelay $0x3  }
0x34: {  	[smem:$0x3FB9] =	sst s10  }
0x35: {  	s10 =	sld [smem:$0x3FB8];
	_ =	sdelay $0x3  }
0x36: {  	p1 =	seq.s32 s10, $0x1;
	s10 =	sld [smem:$0x3FB9];
	_ =	sdelay $0x3  }
0x37: {  	[smem:$0x3FB9] =	sst s10  }
0x38: {  	s10 =	sld [smem:$0x3FBA]  }
0x39: {  	_ = 	snop;
	(pc) =	sbr.ind lr, $3  }
0x3a: {  	_ = 	snop  }
0x3b: {  	_ = 	snop  }
0x3c: {  	p2 =	seq.s32 s10, $0x1;
	s10 =	sld [smem:$0x3FB9]  }
0x3d: {  	_ =	shalt  }
0x3e: {  	_ =	shalt  }
0x3f: {  	_ =	shalt  }
0x40: {  	_ =	shalt  }
0x41: {  	_ =	shalt  }
0x42: {  	_ =	shalt  }
0x43: {  	_ =	shalt  }
0x44: {  	_ =	shalt  }
0x45: {  	_ =	shalt  }
0x46: {  	_ =	shalt  }
0x47: {  	_ =	shalt  }
0x48: {  	_ =	shalt  }
0x49: {  	_ =	shalt  }
0x4a: {  	_ =	shalt  }
0x4b: {  	_ =	shalt  }
0x4c: {  	_ =	shalt  }
0x4d: {  	_ =	shalt  }
0x4e: {  	_ =	shalt  }
0x4f: {  	_ =	shalt  }
0x50: {  	_ =	shalt  }
0x51: {  	_ =	shalt  }
0x52: {  	_ =	shalt  }
0x53: {  	_ =	shalt  }
0x54: {  	_ =	shalt  }
0x55: {  	_ =	shalt  }
0x56: {  	_ =	shalt  }
0x57: {  	_ =	shalt  }
0x58: {  	_ =	shalt  }
0x59: {  	_ =	shalt  }
0x5a: {  	_ =	shalt  }
0x5b: {  	_ =	shalt  }
0x5c: {  	_ =	shalt  }
0x5d: {  	_ =	shalt  }
0x5e: {  	_ =	shalt  }
0x5f: {  	_ =	shalt  }
0x60: {  	_ =	shalt  }
0x61: {  	_ =	shalt  }
0x62: {  	_ =	shalt  }
0x63: {  	_ =	shalt  }
0x64: {  	_ =	shalt  }
0x65: {  	_ =	shalt  }
0x66: {  	_ =	shalt  }
0x67: {  	_ =	shalt  }
0x68: {  	_ =	shalt  }
0x69: {  	_ =	shalt  }
0x6a: {  	_ =	shalt  }
0x6b: {  	_ =	shalt  }
0x6c: {  	_ =	shalt  }
0x6d: {  	_ =	shalt  }
0x6e: {  	_ =	shalt  }
0x6f: {  	_ =	shalt  }
0x70: {  	_ =	shalt  }
0x71: {  	_ =	shalt  }
0x72: {  	_ =	shalt  }
0x73: {  	_ =	shalt  }
0x74: {  	_ =	shalt  }
0x75: {  	_ =	shalt  }
0x76: {  	_ =	shalt  }
0x77: {  	_ =	shalt  }
0x78: {  	_ =	shalt  }
0x79: {  	_ =	shalt  }
0x7a: {  	_ =	shalt  }
0x7b: {  	_ =	shalt  }
0x7c: {  	_ =	shalt  }
0x7d: {  	_ =	shalt  }
0x7e: {  	_ =	shalt  }
0x7f: {  	_ =	shalt  }
0x80: {  	_ =	shalt  }
0x81: {  	_ =	shalt  }
0x82: {  	_ =	shalt  }
0x83: {  	_ =	shalt  }
0x84: {  	_ =	shalt  }
0x85: {  	_ =	shalt  }
0x86: {  	_ =	shalt  }
0x87: {  	_ =	shalt  }
.Lfunc_end0:
.L_simem_size_0:
called_computation_lowered:
.L_overlay_start_0:
0x88: {  	s2 =	sld [smem:$0x3FD9]  }
0x89: {  	s3 =	sld [smem:$0x3FFE];
	_ =	sdelay $0x1  }
0x8a: {  	s1 =	srdreg.scid  }
0x8b: {  	s0 =	sand.u32 $0x1, s1  }
0x8c: {  	s16 =	sshll.u32 s0, $0xA;
	s2 =	sadd.s32 s3, s2  }
0x8d: {  	s2 =	sadd.s32 s2, s16  }
0x8e: {  	[smem:$0x3FC5] =	sst s2  }
0x8f: {  	_ = 	snop  }
0x90: {  	(tm) =	ssettm $0x1  }
0x91: {  	s17 =	sld [smem:$0x3FFB];
	_ =	sdelay $0x3  }
0x92: {  	_ =	strace s17  }
0x93: {  	s2 =	sld [smem:$0x3FFC];
	_ =	sdelay $0x3  }
0x94: {  	_ =	strace s2  }
0x95: {  	s2 =	sld [smem:$0x3FFD];
	_ =	sdelay $0x3  }
0x96: {  	_ =	strace s2  }
0x97: {  	_ =	strace $0x8FFFFFFF  }
0x98: {  	s18 =	sld [smem:$0x3FDB];
	_ =	sdelay $0x1  }
0x99: {  	s19 =	simm.s32 $_scs_section_size  }
0x9a: {  	s4 =	simm.s32 $_size__tile_overlayer_lowered;
	s5 =	simm.s32 $_tile_overlayer_lowered  }
0x9b: {  	s22 =	simm.s32 $0x1BFF;
	s21 =	sshll.u32 s5, $0x1;
	s2 =	sadd.s32 s19, s18  }
0x9c: {  	s6 =	simm.s32 $0x0;
	s20 =	sshll.u32 s4, $0x1;
	s4 =	sadd.s32 s21, s2  }
0x9d: {  	[timem:s6], [sflag:s22] =	dma.local [hbm:s4], s20  }
0x9e: {  	_ =	swait.ge [sflag:s22], s20  }
0x9f: {  	s3 =	ssub.s32 $0x0, s20;
	[sflag:s22] =	ssyncset.done $0x0  }
0xa0: {  	[sflag:s22] =	ssyncadd.s32 s3;
	_ =	sdelay $0x1  }
0xa1: {  	s23 =	simm.s32 $0x1B8B  }
0xa2: {  	_ =	swait.ge [sflag:s23], $0x1  }
0xa3: {  	[sflag:s23] =	ssyncset.done $0x0  }
0xa4: {  	s25 =	simm.s32 $0x1B8E;
	s24 =	sld [smem:$0x3FFE];
	[sflag:s23] =	ssyncadd.s32 $0xFFFFFFFF  }
0xa5: {  	s26 =	simm.s32 $execute0_lowered;
	[smem:$0x3FD2] =	sst s25  }
0xa6: {  	s4 =	sshll.u32 s26, $0x1;
	_ =	strace $0x80000046;
	[dreg:$0x1] =	wrdreg $0xFFFFFFFF  }
0xa7: {  	s28 =	simm.s32 $_size_execute0_lowered;
	s2 =	sadd.s32 s2, s4;
	[dreg:$0x0] =	wrdreg $0x0  }
0xa8: {  	s4 =	sshll.u32 s28, $0x1;
	[dreg:$0x2] =	wrdreg s2  }
0xa9: {  	[dreg:$0x3] =	wrdreg s4  }
0xaa: {  	[dreg:$0x4] =	wrdreg $0xC0  }
0xab: {  	_ =	task [dreg:s6], $0x5FFFF  }
0xac: {  	[dreg:$0x1] =	wrdreg $0xFFFFFFFF  }
0xad: {  	[dreg:$0x0] =	wrdreg $0x60  }
0xae: {  	[dreg:$0x2] =	wrdreg s24  }
0xaf: {  	[dreg:$0x3] =	wrdreg $0x9  }
0xb0: {  	_ =	task.clear_ibuf [dreg:s6], $0x4FFFF;
	_ =	strace $0x90000046  }
0xb1: {  	s29 =	simm.s32 $0x9;
	_ =	strace $0x80000048  }
0xb2: {  	_ =	swait.ge [sflag:s29], $0x1  }
0xb3: {  	[sflag:s29] =	ssyncadd.s32 $0xFFFFFFFF  }
0xb4: {  	_ =	strace $0x90000048  }
0xb5: {  	_ =	sfence  }
0xb6: {  	s30 =	sld [smem:$0x0];
	_ =	sdelay $0x2  }
0xb7: {  	s31 =	sshll.u32 s1, $0xD;
	s1 =	sshrl.u32 s1, $0x2  }
0xb8: {  	s3 =	sand.u32 $0x4000, s31;
	s1 =	sadd.s32 s1, s30  }
0xb9: {  	s0 =	sor.u32 s3, s0;
	s1 =	sshll.u32 s1, $0x11  }
0xba: {  	s0 =	sor.u32 s1, s0  }
0xbb: {  	s0 =	sadd.s32 $0x8F2B, s0  }
0xbc: {  	[sflag:s0] =	ssyncadd.remote.s32 $0x1  }
0xbd: {  	_ =	sfence.sel $0xFFFF  }
0xbe: {  	[dreg:$0x0] =	wrdreg $0xFFFFFFFF;
	(pc) =	sbr.abs _section_cstart, $3  }
0xbf: {  	[dreg:$0x1] =	wrdreg $0xFFFFFFFF  }
0xc0: {  	_ =	task.clear_ibuf [dreg:s6], $0x2FFFF;
	_ =	strace $0x9FFFFFFF  }
0xc1: {  	(tm) =	ssettm $0x7FFFFFFF  }
tec
execute0_lowered:
.L_overlay_start_1:
0x0: {  	(tag) =	ssettag $0x1  }
0x1: {  	s1 =	srdreg.scid;
	s0 =	stileid.u32  }
0x2: {  	s3 =	rddreg [dreg:$0x0];
	s2 =	simm.s32 $0x0;
	s8 =	simm.s32 $0x0  }
0x3: {  	s4 =	sand.u32 $0x1, s1;
	s5 =	sshll.u32 s0, $0x1;
	s1 =	rddreg [dreg:$0x1]  }
0x4: {  	[smem:$0x7FF] =	sst s2;
	s5 =	sor.u32 s4, s5;
	s4 =	ssub.s32 $0x2, s4  }
0x5: {  	s3 =	sadd.s32 $0x200, s3;
	s6 =	smul.u32 $0x2C0, s5;
	s7 =	sshrl.u32 s4, $0x1  }
0x6: {  	_ =	strace $0x80000047;
	s5 =	smul.u32 $0xB0000, s5;
	s7 =	ssub.s32 s4, s7  }
0x7: {  	v0 =	vlaneseq.u32;
	s4 =	sadd.s32 $0xA800, s6;
	s6 =	smax.u32 s7, $0x1;
	s7 =	simm.s32 $0x1  }
.LBB2_1:
0x8: {  	s9 =	simm.s32 $0x0  }
.LBB2_2:
0x9: {  	s10 =	sshll.u32 s9, $0x3  }
0xa: {  	s12 =	sadd.s32 s10, s4  }
0xb: {  	s10 =	sadd.s32 $0x0, s12  }
0xc: {  	s11 =	simm.s32 $0x0;
	s10 =	smul.u32 $0x3E8, s10  }
0xd: {  	s13 =	simm.s32 $0x30;
	s14 =	simm.s32 $0x10;
	s15 =	simm.s32 $0x20  }
0xe: {  	s13 =	sand.u32 $0x3F0, s13;
	s16 =	sand.u32 $0x3C0, s11;
	s10 =	sadd.s32 $0x2A, s10  }
0xf: {  	s14 =	sand.u32 $0x3D0, s14;
	s15 =	sand.u32 $0x3E0, s15;
	s13 =	sadd.s32 s13, s10  }
0x10: {  	s16 =	sadd.s32 s16, s10;
	s31 =	sadd.s32 s14, s10;
	s10 =	sadd.s32 s15, s10;
	v1 =	vadd.s32 s13, v0  }
0x11: {  	v2 =	vadd.s32 s16, v0;
	v5 =	vadd.s32 s31, v0;
	v6 =	vadd.s32 s10, v0  }
0x12: {  	v3 =	vshrl.u32 v1, $0x13;
	v4 =	vshll.u32 v1, $0xD;
	v7 =	vshll.u32 v2, $0xD  }
0x13: {  	v8 =	vshrl.u32 v5, $0x13;
	v11 =	vshll.u32 v5, $0xD;
	v3 =	vor.u32 v3, v4  }
0x14: {  	v4 =	vshrl.u32 v2, $0x13;
	v8 =	vor.u32 v8, v11;
	v3 =	vxor.u32 v1, v3  }
0x15: {  	v4 =	vor.u32 v4, v7;
	v9 =	vshrl.u32 v3, $0x11;
	v10 =	vshll.u32 v3, $0xF  }
0x16: {  	v8 =	vxor.u32 v5, v8;
	v1 =	vadd.s32 v1, v3;
	v3 =	vor.u32 v9, v10  }
0x17: {  	v4 =	vxor.u32 v2, v4;
	v11 =	vshrl.u32 v8, $0x11;
	v3 =	vxor.u32 v1, v3  }
0x18: {  	v31 =	vshll.u32 v8, $0xF;
	v7 =	vshrl.u32 v3, $0x6;
	v12 =	vshll.u32 v3, $0x1A  }
0x19: {  	v9 =	vshrl.u32 v6, $0x13;
	v1 =	vadd.s32 v1, v3;
	v3 =	vor.u32 v7, v12  }
0x1a: {  	v10 =	vshll.u32 v6, $0xD;
	v11 =	vor.u32 v11, v31;
	v3 =	vxor.u32 v1, v3  }
0x1b: {  	v7 =	vor.u32 v9, v10;
	v9 =	vshrl.u32 v3, $0x1A;
	v10 =	vshll.u32 v3, $0x6  }
0x1c: {  	v7 =	vxor.u32 v6, v7;
	v1 =	vadd.s32 v1, v3;
	v3 =	vor.u32 v9, v10  }
0x1d: {  	v2 =	vadd.s32 v2, v4;
	v14 =	vshrl.u32 v7, $0x11;
	v3 =	vxor.u32 v1, v3  }
0x1e: {  	v9 =	vshrl.u32 v4, $0x11;
	v10 =	vshll.u32 v4, $0xF;
	v3 =	vadd.s32 $0x1BD11BF1, v3  }
0x1f: {  	v1 =	vadd.s32 v3, v1;
	v13 =	vshrl.u32 v3, $0xF;
	v3 =	vshll.u32 v3, $0x11  }
0x20: {  	v4 =	vadd.s32 v5, v8;
	v1 =	vadd.s32 $0x2A, v1;
	v3 =	vor.u32 v13, v3  }
0x21: {  	v5 =	vadd.s32 v6, v7;
	v9 =	vor.u32 v9, v10;
	v3 =	vxor.u32 v1, v3  }
0x22: {  	v10 =	vshll.u32 v7, $0xF;
	v32 =	vshrl.u32 v3, $0x3;
	v33 =	vshll.u32 v3, $0x1D  }
0x23: {  	v8 =	vxor.u32 v2, v9;
	v1 =	vadd.s32 v1, v3;
	v3 =	vor.u32 v32, v33  }
0x24: {  	v10 =	vor.u32 v14, v10;
	v9 =	vshrl.u32 v8, $0x6;
	v3 =	vxor.u32 v1, v3  }
0x25: {  	v34 =	vshll.u32 v8, $0x1A;
	v6 =	vshrl.u32 v3, $0x10;
	v7 =	vshll.u32 v3, $0x10  }
0x26: {  	v2 =	vadd.s32 v2, v8;
	v1 =	vadd.s32 v1, v3;
	v3 =	vor.u32 v6, v7  }
0x27: {  	v9 =	vor.u32 v9, v34;
	v6 =	vxor.u32 v4, v11;
	v3 =	vxor.u32 v1, v3  }
0x28: {  	v7 =	vxor.u32 v5, v10;
	v10 =	vshrl.u32 v3, $0x8;
	v11 =	vshll.u32 v3, $0x18  }
0x29: {  	v35 =	vshrl.u32 v7, $0x6;
	v1 =	vadd.s32 v1, v3;
	v3 =	vor.u32 v10, v11  }
0x2a: {  	v36 =	vshll.u32 v7, $0x1A;
	v4 =	vadd.s32 v4, v6;
	v3 =	vxor.u32 v1, v3  }
0x2b: {  	v5 =	vadd.s32 v5, v7;
	v10 =	vshrl.u32 v6, $0x6;
	v3 =	vadd.s32 $0x2, v3  }
0x2c: {  	v1 =	vadd.s32 v3, v1;
	v15 =	vshrl.u32 v3, $0x13;
	v3 =	vshll.u32 v3, $0xD  }
0x2d: {  	v11 =	vshll.u32 v6, $0x1A;
	v1 =	vadd.s32 $0x1BD11BF0, v1;
	v3 =	vor.u32 v15, v3  }
0x2e: {  	v6 =	vxor.u32 v2, v9;
	v10 =	vor.u32 v10, v11;
	v3 =	vxor.u32 v1, v3  }
0x2f: {  	v11 =	vor.u32 v35, v36;
	v8 =	vshrl.u32 v3, $0x11;
	v37 =	vshll.u32 v3, $0xF  }
0x30: {  	v2 =	vadd.s32 v2, v6;
	v1 =	vadd.s32 v1, v3;
	v3 =	vor.u32 v8, v37  }
0x31: {  	v7 =	vxor.u32 v4, v10;
	v10 =	vxor.u32 v5, v11;
	v3 =	vxor.u32 v1, v3  }
0x32: {  	v11 =	vshrl.u32 v7, $0x1A;
	v8 =	vshrl.u32 v3, $0x6;
	v9 =	vshll.u32 v3, $0x1A  }
0x33: {  	v40 =	vshll.u32 v7, $0x6;
	v1 =	vadd.s32 v1, v3;
	v3 =	vor.u32 v8, v9  }
0x34: {  	v41 =	vshrl.u32 v10, $0x1A;
	v42 =	vshll.u32 v10, $0x6;
	v3 =	vxor.u32 v1, v3  }
0x35: {  	v4 =	vadd.s32 v4, v7;
	v38 =	vshrl.u32 v3, $0x1A;
	v39 =	vshll.u32 v3, $0x6  }
0x36: {  	v5 =	vadd.s32 v5, v10;
	v1 =	vadd.s32 v1, v3;
	v3 =	vor.u32 v38, v39  }
0x37: {  	v8 =	vshrl.u32 v6, $0x1A;
	v9 =	vshll.u32 v6, $0x6;
	v3 =	vxor.u32 v1, v3  }
0x38: {  	v8 =	vor.u32 v8, v9;
	v9 =	vor.u32 v11, v40;
	v3 =	vadd.s32 $0x2D, v3  }
0x39: {  	v11 =	vor.u32 v41, v42;
	v43 =	vshrl.u32 v3, $0xF;
	v44 =	vshll.u32 v3, $0x11  }
0x3a: {  	v6 =	vxor.u32 v2, v8;
	v1 =	vadd.s32 v1, v3;
	v3 =	vor.u32 v43, v44  }
0x3b: {  	v9 =	vxor.u32 v4, v9;
	v6 =	vadd.s32 $0x1BD11BF1, v6;
	v3 =	vxor.u32 v1, v3  }
0x3c: {  	v2 =	vadd.s32 v6, v2;
	v7 =	vshrl.u32 v3, $0x3;
	v8 =	vshll.u32 v3, $0x1D  }
0x3d: {  	v2 =	vadd.s32 $0x2A, v2;
	v1 =	vadd.s32 v1, v3;
	v3 =	vor.u32 v7, v8  }
0x3e: {  	v7 =	vxor.u32 v5, v11;
	v8 =	vadd.s32 $0x1BD11BF1, v9;
	v3 =	vxor.u32 v1, v3  }
0x3f: {  	v7 =	vadd.s32 $0x1BD11BF1, v7;
	v4 =	vadd.s32 v8, v4;
	v9 =	vshrl.u32 v3, $0x10  }
0x40: {  	v10 =	vshll.u32 v3, $0x10;
	v1 =	vadd.s32 v1, v3;
	v5 =	vadd.s32 v7, v5  }
0x41: {  	v4 =	vadd.s32 $0x2A, v4;
	v3 =	vor.u32 v9, v10;
	v9 =	vshrl.u32 v6, $0xF  }
0x42: {  	v6 =	vshll.u32 v6, $0x11;
	v5 =	vadd.s32 $0x2A, v5;
	v3 =	vxor.u32 v1, v3  }
0x43: {  	v6 =	vor.u32 v9, v6;
	v10 =	vshrl.u32 v3, $0x8;
	v11 =	vshll.u32 v3, $0x18  }
0x44: {  	v1 =	vadd.s32 v1, v3;
	v6 =	vxor.u32 v2, v6;
	v3 =	vor.u32 v10, v11  }
0x45: {  	v10 =	vshrl.u32 v8, $0xF;
	v8 =	vshll.u32 v8, $0x11;
	v3 =	vxor.u32 v1, v3  }
0x46: {  	v11 =	vshrl.u32 v7, $0xF;
	v7 =	vshll.u32 v7, $0x11;
	v3 =	vadd.s32 $0x1BD11BF4, v3  }
0x47: {  	v1 =	vadd.s32 v3, v1;
	v45 =	vshrl.u32 v3, $0x13;
	v3 =	vshll.u32 v3, $0xD  }
0x48: {  	v2 =	vadd.s32 v2, v6;
	v1 =	vadd.s32 $0x2A, v1;
	v3 =	vor.u32 v45, v3  }
0x49: {  	v8 =	vor.u32 v10, v8;
	v7 =	vor.u32 v11, v7;
	v3 =	vxor.u32 v1, v3  }
0x4a: {  	v8 =	vxor.u32 v4, v8;
	v9 =	vshrl.u32 v3, $0x11;
	v46 =	vshll.u32 v3, $0xF  }
0x4b: {  	v7 =	vxor.u32 v5, v7;
	v1 =	vadd.s32 v1, v3;
	v3 =	vor.u32 v9, v46  }
0x4c: {  	v48 =	vshrl.u32 v8, $0x3;
	v49 =	vshrl.u32 v7, $0x3;
	v3 =	vxor.u32 v1, v3  }
0x4d: {  	v50 =	vshll.u32 v7, $0x1D;
	v9 =	vshrl.u32 v3, $0x6;
	v10 =	vshll.u32 v3, $0x1A  }
0x4e: {  	v5 =	vadd.s32 v5, v7;
	v1 =	vadd.s32 v1, v3;
	v3 =	vor.u32 v9, v10  }
0x4f: {  	v9 =	vshrl.u32 v6, $0x3;
	v10 =	vshll.u32 v6, $0x1D;
	v3 =	vxor.u32 v1, v3  }
0x50: {  	v9 =	vor.u32 v9, v10;
	v11 =	vshrl.u32 v3, $0x1A;
	v47 =	vshll.u32 v3, $0x6  }
0x51: {  	v1 =	vadd.s32 v1, v3;
	v6 =	vxor.u32 v2, v9;
	v3 =	vor.u32 v11, v47  }
0x52: {  	v11 =	vshll.u32 v8, $0x1D;
	v7 =	vshrl.u32 v6, $0x10;
	v9 =	vshll.u32 v6, $0x10  }
0x53: {  	v2 =	vadd.s32 v2, v6;
	v3 =	vxor.u32 v1, v3;
	v1 =	vadd.s32 $0x1BD11BF0, v1  }
0x54: {  	v10 =	vor.u32 v48, v11;
	v7 =	vor.u32 v7, v9;
	v3 =	vadd.s32 $0x5, v3  }
0x55: {  	v7 =	vxor.u32 v2, v7;
	v1 =	vxor.u32 v1, v3;
	v3 =	vadd.s32 v4, v8  }
0x56: {  	v4 =	vor.u32 v49, v50;
	v2 =	vadd.s32 v2, v7;
	v8 =	vxor.u32 v3, v10  }
0x57: {  	v4 =	vxor.u32 v5, v4;
	v10 =	vshrl.u32 v8, $0x10;
	v11 =	vshll.u32 v8, $0x10  }
0x58: {  	v51 =	vshrl.u32 v4, $0x10;
	v3 =	vadd.s32 v3, v8;
	v9 =	vor.u32 v10, v11  }
0x59: {  	v10 =	vshll.u32 v4, $0x10;
	v4 =	vadd.s32 v5, v4;
	v5 =	vshrl.u32 v7, $0x8  }
0x5a: {  	v6 =	vor.u32 v51, v10;
	v8 =	vxor.u32 v3, v9;
	v9 =	vshll.u32 v7, $0x18  }
0x5b: {  	v6 =	vxor.u32 v4, v6;
	v10 =	vshrl.u32 v8, $0x8;
	v11 =	vshll.u32 v8, $0x18  }
0x5c: {  	v5 =	vor.u32 v5, v9;
	v3 =	vadd.s32 v3, v8;
	v52 =	vshrl.u32 v6, $0x8  }
0x5d: {  	v9 =	vor.u32 v10, v11;
	v10 =	vshll.u32 v6, $0x18;
	v5 =	vxor.u32 v2, v5  }
0x5e: {  	v4 =	vadd.s32 v4, v6;
	v7 =	vor.u32 v52, v10;
	v8 =	vxor.u32 v3, v9  }
0x5f: {  	v5 =	vadd.s32 $0x2, v5;
	v6 =	vadd.s32 $0x2, v8;
	v7 =	vxor.u32 v4, v7  }
0x60: {  	v2 =	vadd.s32 v5, v2;
	v8 =	vshrl.u32 v5, $0x13;
	v5 =	vshll.u32 v5, $0xD  }
0x61: {  	v7 =	vadd.s32 $0x2, v7;
	v3 =	vadd.s32 v6, v3;
	v9 =	vshrl.u32 v6, $0x13  }
0x62: {  	v6 =	vshll.u32 v6, $0xD;
	v2 =	vadd.s32 $0x1BD11BF0, v2;
	v5 =	vor.u32 v8, v5  }
0x63: {  	v4 =	vadd.s32 v7, v4;
	v10 =	vshrl.u32 v7, $0x13;
	v7 =	vshll.u32 v7, $0xD  }
0x64: {  	v3 =	vadd.s32 $0x1BD11BF0, v3;
	v6 =	vor.u32 v9, v6;
	v5 =	vxor.u32 v2, v5  }
0x65: {  	v4 =	vadd.s32 $0x1BD11BF0, v4;
	v6 =	vxor.u32 v3, v6;
	v7 =	vor.u32 v10, v7  }
0x66: {  	v8 =	vshrl.u32 v5, $0x11;
	v9 =	vshll.u32 v5, $0xF;
	v2 =	vadd.s32 v2, v5  }
0x67: {  	v7 =	vxor.u32 v4, v7;
	v10 =	vshrl.u32 v6, $0x11;
	v11 =	vshll.u32 v6, $0xF  }
0x68: {  	v8 =	vor.u32 v8, v9;
	v3 =	vadd.s32 v3, v6;
	v53 =	vshrl.u32 v7, $0x11  }
0x69: {  	v9 =	vor.u32 v10, v11;
	v10 =	vshll.u32 v7, $0xF;
	v6 =	vxor.u32 v2, v8  }
0x6a: {  	v4 =	vadd.s32 v4, v7;
	v5 =	vor.u32 v53, v10;
	v8 =	vxor.u32 v3, v9  }
0x6b: {  	v7 =	vshrl.u32 v6, $0x6;
	v9 =	vshll.u32 v6, $0x1A;
	v2 =	vadd.s32 v2, v6  }
0x6c: {  	v5 =	vxor.u32 v4, v5;
	v10 =	vshrl.u32 v8, $0x6;
	v11 =	vshll.u32 v8, $0x1A  }
0x6d: {  	v7 =	vor.u32 v7, v9;
	v3 =	vadd.s32 v3, v8;
	v54 =	vshrl.u32 v5, $0x6  }
0x6e: {  	v9 =	vor.u32 v10, v11;
	v10 =	vshll.u32 v5, $0x1A;
	v7 =	vxor.u32 v2, v7  }
0x6f: {  	v4 =	vadd.s32 v4, v5;
	v6 =	vor.u32 v54, v10;
	v8 =	vxor.u32 v3, v9  }
0x70: {  	v5 =	vshrl.u32 v7, $0x1A;
	v9 =	vshll.u32 v7, $0x6;
	v2 =	vadd.s32 v2, v7  }
0x71: {  	v6 =	vxor.u32 v4, v6;
	v10 =	vshrl.u32 v8, $0x1A;
	v11 =	vshll.u32 v8, $0x6  }
0x72: {  	v5 =	vor.u32 v5, v9;
	v3 =	vadd.s32 v3, v8;
	v55 =	vshrl.u32 v6, $0x1A  }
0x73: {  	v9 =	vor.u32 v10, v11;
	v10 =	vshll.u32 v6, $0x6;
	v5 =	vxor.u32 v2, v5  }
0x74: {  	v4 =	vadd.s32 v4, v6;
	v7 =	vor.u32 v55, v10;
	v8 =	vxor.u32 v3, v9  }
0x75: {  	v5 =	vadd.s32 $0x2D, v5;
	v6 =	vadd.s32 $0x2D, v8;
	v7 =	vxor.u32 v4, v7  }
0x76: {  	v8 =	vshrl.u32 v5, $0xF;
	v9 =	vshll.u32 v5, $0x11;
	v2 =	vadd.s32 v2, v5  }
0x77: {  	v7 =	vadd.s32 $0x2D, v7;
	v10 =	vshrl.u32 v6, $0xF;
	v11 =	vshll.u32 v6, $0x11  }
0x78: {  	v8 =	vor.u32 v8, v9;
	v3 =	vadd.s32 v3, v6;
	v56 =	vshrl.u32 v7, $0xF  }
0x79: {  	v9 =	vor.u32 v10, v11;
	v10 =	vshll.u32 v7, $0x11;
	v6 =	vxor.u32 v2, v8  }
0x7a: {  	v4 =	vadd.s32 v4, v7;
	v5 =	vor.u32 v56, v10;
	v8 =	vxor.u32 v3, v9  }
0x7b: {  	v7 =	vshrl.u32 v6, $0x3;
	v9 =	vshll.u32 v6, $0x1D;
	v2 =	vadd.s32 v2, v6  }
0x7c: {  	v5 =	vxor.u32 v4, v5;
	v10 =	vshrl.u32 v8, $0x3;
	v11 =	vshll.u32 v8, $0x1D  }
0x7d: {  	v7 =	vor.u32 v7, v9;
	v3 =	vadd.s32 v3, v8;
	v57 =	vshrl.u32 v5, $0x3  }
0x7e: {  	v9 =	vor.u32 v10, v11;
	v10 =	vshll.u32 v5, $0x1D;
	v7 =	vxor.u32 v2, v7  }
0x7f: {  	v4 =	vadd.s32 v4, v5;
	v6 =	vor.u32 v57, v10;
	v8 =	vxor.u32 v3, v9  }
0x80: {  	v5 =	vshrl.u32 v7, $0x10;
	v9 =	vshll.u32 v7, $0x10;
	v2 =	vadd.s32 v2, v7  }
0x81: {  	v6 =	vxor.u32 v4, v6;
	v10 =	vshrl.u32 v8, $0x10;
	v11 =	vshll.u32 v8, $0x10  }
0x82: {  	v5 =	vor.u32 v5, v9;
	v3 =	vadd.s32 v3, v8;
	v58 =	vshrl.u32 v6, $0x10  }
0x83: {  	v9 =	vor.u32 v10, v11;
	v10 =	vshll.u32 v6, $0x10;
	v5 =	vxor.u32 v2, v5  }
0x84: {  	v4 =	vadd.s32 v4, v6;
	v7 =	vor.u32 v58, v10;
	v8 =	vxor.u32 v3, v9  }
0x85: {  	v6 =	vshrl.u32 v5, $0x8;
	v9 =	vshll.u32 v5, $0x18;
	v2 =	vadd.s32 v2, v5  }
0x86: {  	v7 =	vxor.u32 v4, v7;
	v10 =	vshrl.u32 v8, $0x8;
	v11 =	vshll.u32 v8, $0x18  }
0x87: {  	v6 =	vor.u32 v6, v9;
	v3 =	vadd.s32 v3, v8;
	v59 =	vshrl.u32 v7, $0x8  }
0x88: {  	v9 =	vor.u32 v10, v11;
	v10 =	vshll.u32 v7, $0x18;
	v6 =	vxor.u32 v2, v6  }
0x89: {  	v4 =	vadd.s32 v4, v7;
	v5 =	vor.u32 v59, v10;
	v8 =	vxor.u32 v3, v9  }
0x8a: {  	v6 =	vadd.s32 $0x1BD11BF4, v6;
	v7 =	vadd.s32 $0x1BD11BF4, v8;
	v5 =	vxor.u32 v4, v5  }
0x8b: {  	v2 =	vadd.s32 v6, v2;
	v8 =	vshrl.u32 v6, $0x13;
	v6 =	vshll.u32 v6, $0xD  }
0x8c: {  	v5 =	vadd.s32 $0x1BD11BF4, v5;
	v3 =	vadd.s32 v7, v3;
	v9 =	vshrl.u32 v7, $0x13  }
0x8d: {  	v7 =	vshll.u32 v7, $0xD;
	v2 =	vadd.s32 $0x2A, v2;
	v6 =	vor.u32 v8, v6  }
0x8e: {  	v4 =	vadd.s32 v5, v4;
	v10 =	vshrl.u32 v5, $0x13;
	v5 =	vshll.u32 v5, $0xD  }
0x8f: {  	v3 =	vadd.s32 $0x2A, v3;
	v7 =	vor.u32 v9, v7;
	v6 =	vxor.u32 v2, v6  }
0x90: {  	v4 =	vadd.s32 $0x2A, v4;
	v7 =	vxor.u32 v3, v7;
	v5 =	vor.u32 v10, v5  }
0x91: {  	v8 =	vshrl.u32 v6, $0x11;
	v9 =	vshll.u32 v6, $0xF;
	v2 =	vadd.s32 v2, v6  }
0x92: {  	v5 =	vxor.u32 v4, v5;
	v10 =	vshrl.u32 v7, $0x11;
	v11 =	vshll.u32 v7, $0xF  }
0x93: {  	v8 =	vor.u32 v8, v9;
	v6 =	vadd.s32 v3, v7;
	v60 =	vshrl.u32 v5, $0x11  }
0x94: {  	v9 =	vor.u32 v10, v11;
	v10 =	vshll.u32 v5, $0xF;
	v7 =	vxor.u32 v2, v8  }
0x95: {  	v5 =	vadd.s32 v4, v5;
	v3 =	vor.u32 v60, v10;
	v8 =	vxor.u32 v6, v9  }
0x96: {  	v4 =	vshrl.u32 v7, $0x6;
	v9 =	vshll.u32 v7, $0x1A;
	v10 =	vxor.u32 v5, v3  }
0x97: {  	v3 =	vshrl.u32 v8, $0x6;
	v11 =	vshll.u32 v8, $0x1A;
	v9 =	vor.u32 v4, v9  }
0x98: {  	v4 =	vadd.s32 v6, v8;
	v61 =	vshrl.u32 v10, $0x6;
	v11 =	vor.u32 v3, v11  }
0x99: {  	v62 =	vshll.u32 v10, $0x1A;
	v3 =	vadd.s32 v2, v7;
	v2 =	vadd.s32 v5, v10  }
0x9a: {  	v8 =	vor.u32 v61, v62;
	v6 =	vxor.u32 v3, v9;
	v7 =	vxor.u32 v4, v11  }
0x9b: {  	v9 =	vshrl.u32 v6, $0x1A;
	v10 =	vshll.u32 v6, $0x6;
	v5 =	vxor.u32 v2, v8  }
0x9c: {  	s10 =	simm.s32 $0x20;
	v11 =	vshrl.u32 v7, $0x1A;
	v63 =	vshll.u32 v7, $0x6;
	v8 =	vshrl.u32 v5, $0x1A  }
0x9d: {  	s14 =	simm.s32 $0x0;
	s13 =	simm.s32 $0x2;
	[tilespmem:s10+$0x10] =	vst v1;
	v1 =	vor.u32 v9, v10;
	v9 =	vor.u32 v11, v63;
	v10 =	vshll.u32 v5, $0x6  }
.LBB2_3:
0x9e: {  	p0 =	sne.s32 s13, $0x7F;
	s14 =	sadd.s32 s12, s14;
	v3 =	vadd.s32 v3, v6;
	v4 =	vadd.s32 v4, v7;
	v6 =	vor.u32 v8, v10  }
0x9f: {  	v2 =	vadd.s32 v2, v5;
	s11 =	sadd.s32 $0x40, s11;
	s14 =	smul.u32 $0x3E8, s14;
	v1 =	vxor.u32 v3, v1;
	v7 =	vxor.u32 v4, v9  }
0xa0: {  	s15 =	sadd.s32 $0x10, s11;
	s16 =	sadd.s32 $0x20, s11;
	s17 =	sadd.s32 $0x30, s11;
	v6 =	vxor.u32 v2, v6;
	v1 =	vadd.s32 $0x5, v1;
	v5 =	vadd.s32 $0x5, v7  }
0xa1: {  	v3 =	vadd.s32 $0x1BD11BF0, v3;
	v4 =	vadd.s32 $0x1BD11BF0, v4;
	s15 =	sand.u32 $0x3D0, s15;
	s17 =	sand.u32 $0x3F0, s17;
	v6 =	vadd.s32 $0x5, v6;
	s14 =	sadd.s32 $0x2A, s14  }
0xa2: {  	s18 =	sand.u32 $0x3C0, s11;
	v2 =	vadd.s32 $0x1BD11BF0, v2;
	s16 =	sand.u32 $0x3E0, s16;
	v1 =	vxor.u32 v3, v1;
	v3 =	vxor.u32 v4, v5;
	s17 =	sadd.s32 s17, s14  }
0xa3: {  	s18 =	sadd.s32 s18, s14;
	s15 =	sadd.s32 s15, s14;
	s14 =	sadd.s32 s16, s14;
	v4 =	vadd.s32 s17, v0;
	[tilespmem:s10+$0xFFFFFFE0] =	vst v1;
	v1 =	vxor.u32 v2, v6  }
0xa4: {  	v2 =	vadd.s32 s18, v0;
	v5 =	vshrl.u32 v4, $0x13;
	v6 =	vshll.u32 v4, $0xD;
	[tilespmem:s10+$0xFFFFFFF0] =	vst v3  }
0xa5: {  	v7 =	vadd.s32 s14, v0;
	v3 =	vadd.s32 s15, v0;
	v5 =	vor.u32 v5, v6;
	[tilespmem:s10+$0x0] =	vst v1  }
0xa6: {  	v1 =	vshrl.u32 v2, $0x13;
	v6 =	vshll.u32 v2, $0xD;
	v5 =	vxor.u32 v4, v5  }
0xa7: {  	v8 =	vshrl.u32 v3, $0x13;
	v9 =	vshrl.u32 v5, $0x11;
	v10 =	vshll.u32 v5, $0xF  }
0xa8: {  	v11 =	vshll.u32 v3, $0xD;
	v4 =	vadd.s32 v4, v5;
	v5 =	vor.u32 v9, v10  }
0xa9: {  	v9 =	vshrl.u32 v7, $0x13;
	v10 =	vshll.u32 v7, $0xD;
	v5 =	vxor.u32 v4, v5  }
0xaa: {  	v1 =	vor.u32 v1, v6;
	v6 =	vshrl.u32 v5, $0x6;
	v12 =	vshll.u32 v5, $0x1A  }
0xab: {  	v8 =	vor.u32 v8, v11;
	v4 =	vadd.s32 v4, v5;
	v5 =	vor.u32 v6, v12  }
0xac: {  	v1 =	vxor.u32 v2, v1;
	v6 =	vor.u32 v9, v10;
	v5 =	vxor.u32 v4, v5  }
0xad: {  	v8 =	vxor.u32 v3, v8;
	v9 =	vshrl.u32 v5, $0x1A;
	v10 =	vshll.u32 v5, $0x6  }
0xae: {  	v6 =	vxor.u32 v7, v6;
	v4 =	vadd.s32 v4, v5;
	v5 =	vor.u32 v9, v10  }
0xaf: {  	v9 =	vshrl.u32 v1, $0x11;
	v10 =	vshll.u32 v1, $0xF;
	v5 =	vxor.u32 v4, v5  }
0xb0: {  	v11 =	vshrl.u32 v8, $0x11;
	v12 =	vshll.u32 v8, $0xF;
	v5 =	vadd.s32 $0x1BD11BF1, v5  }
0xb1: {  	v4 =	vadd.s32 v5, v4;
	v13 =	vshrl.u32 v5, $0xF;
	v5 =	vshll.u32 v5, $0x11  }
0xb2: {  	v14 =	vshrl.u32 v6, $0x11;
	v4 =	vadd.s32 $0x2A, v4;
	v5 =	vor.u32 v13, v5  }
0xb3: {  	v9 =	vor.u32 v9, v10;
	v10 =	vshll.u32 v6, $0xF;
	v5 =	vxor.u32 v4, v5  }
0xb4: {  	v11 =	vor.u32 v11, v12;
	v12 =	vshrl.u32 v5, $0x3;
	v13 =	vshll.u32 v5, $0x1D  }
0xb5: {  	v10 =	vor.u32 v14, v10;
	v4 =	vadd.s32 v4, v5;
	v5 =	vor.u32 v12, v13  }
0xb6: {  	v1 =	vadd.s32 v2, v1;
	v2 =	vadd.s32 v3, v8;
	v3 =	vxor.u32 v4, v5  }
0xb7: {  	v5 =	vadd.s32 v7, v6;
	v6 =	vshrl.u32 v3, $0x10;
	v7 =	vshll.u32 v3, $0x10  }
0xb8: {  	v8 =	vxor.u32 v1, v9;
	v3 =	vadd.s32 v4, v3;
	v4 =	vor.u32 v6, v7  }
0xb9: {  	v6 =	vxor.u32 v2, v11;
	v7 =	vxor.u32 v5, v10;
	v4 =	vxor.u32 v3, v4  }
0xba: {  	v9 =	vshrl.u32 v8, $0x6;
	v10 =	vshrl.u32 v4, $0x8;
	v11 =	vshll.u32 v4, $0x18  }
0xbb: {  	v12 =	vshll.u32 v8, $0x1A;
	v3 =	vadd.s32 v3, v4;
	v4 =	vor.u32 v10, v11  }
0xbc: {  	v10 =	vshrl.u32 v6, $0x6;
	v11 =	vshll.u32 v6, $0x1A;
	v4 =	vxor.u32 v3, v4  }
0xbd: {  	v13 =	vshrl.u32 v7, $0x6;
	v14 =	vshll.u32 v7, $0x1A;
	v4 =	vadd.s32 $0x2, v4  }
0xbe: {  	v3 =	vadd.s32 v4, v3;
	v15 =	vshrl.u32 v4, $0x13;
	v4 =	vshll.u32 v4, $0xD  }
0xbf: {  	v9 =	vor.u32 v9, v12;
	v3 =	vadd.s32 $0x1BD11BF0, v3;
	v4 =	vor.u32 v15, v4  }
0xc0: {  	v10 =	vor.u32 v10, v11;
	v11 =	vor.u32 v13, v14;
	v4 =	vxor.u32 v3, v4  }
0xc1: {  	v1 =	vadd.s32 v1, v8;
	v8 =	vshrl.u32 v4, $0x11;
	v12 =	vshll.u32 v4, $0xF  }
0xc2: {  	v2 =	vadd.s32 v2, v6;
	v3 =	vadd.s32 v3, v4;
	v4 =	vor.u32 v8, v12  }
0xc3: {  	v5 =	vadd.s32 v5, v7;
	v6 =	vxor.u32 v1, v9;
	v4 =	vxor.u32 v3, v4  }
0xc4: {  	v7 =	vxor.u32 v2, v10;
	v8 =	vshrl.u32 v4, $0x6;
	v9 =	vshll.u32 v4, $0x1A  }
0xc5: {  	v10 =	vxor.u32 v5, v11;
	v3 =	vadd.s32 v3, v4;
	v4 =	vor.u32 v8, v9  }
0xc6: {  	v8 =	vshrl.u32 v6, $0x1A;
	v9 =	vshll.u32 v6, $0x6;
	v4 =	vxor.u32 v3, v4  }
0xc7: {  	v11 =	vshrl.u32 v7, $0x1A;
	v12 =	vshrl.u32 v4, $0x1A;
	v13 =	vshll.u32 v4, $0x6  }
0xc8: {  	v14 =	vshll.u32 v7, $0x6;
	v3 =	vadd.s32 v3, v4;
	v4 =	vor.u32 v12, v13  }
0xc9: {  	v12 =	vshrl.u32 v10, $0x1A;
	v13 =	vshll.u32 v10, $0x6;
	v4 =	vxor.u32 v3, v4  }
0xca: {  	v8 =	vor.u32 v8, v9;
	v9 =	vor.u32 v11, v14;
	v4 =	vadd.s32 $0x2D, v4  }
0xcb: {  	v11 =	vor.u32 v12, v13;
	v12 =	vshrl.u32 v4, $0xF;
	v13 =	vshll.u32 v4, $0x11  }
0xcc: {  	v1 =	vadd.s32 v1, v6;
	v3 =	vadd.s32 v3, v4;
	v4 =	vor.u32 v12, v13  }
0xcd: {  	v2 =	vadd.s32 v2, v7;
	v5 =	vadd.s32 v5, v10;
	v4 =	vxor.u32 v3, v4  }
0xce: {  	v6 =	vxor.u32 v1, v8;
	v7 =	vshrl.u32 v4, $0x3;
	v8 =	vshll.u32 v4, $0x1D  }
0xcf: {  	v9 =	vxor.u32 v2, v9;
	v3 =	vadd.s32 v3, v4;
	v4 =	vor.u32 v7, v8  }
0xd0: {  	v6 =	vadd.s32 $0x1BD11BF1, v6;
	v7 =	vxor.u32 v5, v11;
	v4 =	vxor.u32 v3, v4  }
0xd1: {  	v8 =	vadd.s32 $0x1BD11BF1, v9;
	v9 =	vshrl.u32 v4, $0x10;
	v10 =	vshll.u32 v4, $0x10  }
0xd2: {  	v7 =	vadd.s32 $0x1BD11BF1, v7;
	v3 =	vadd.s32 v3, v4;
	v4 =	vor.u32 v9, v10  }
0xd3: {  	v1 =	vadd.s32 v6, v1;
	v9 =	vshrl.u32 v6, $0xF;
	v4 =	vxor.u32 v3, v4  }
0xd4: {  	v6 =	vshll.u32 v6, $0x11;
	v10 =	vshrl.u32 v4, $0x8;
	v11 =	vshll.u32 v4, $0x18  }
0xd5: {  	v2 =	vadd.s32 v8, v2;
	v3 =	vadd.s32 v3, v4;
	v4 =	vor.u32 v10, v11  }
0xd6: {  	v10 =	vshrl.u32 v8, $0xF;
	v8 =	vshll.u32 v8, $0x11;
	v4 =	vxor.u32 v3, v4  }
0xd7: {  	v5 =	vadd.s32 v7, v5;
	v11 =	vshrl.u32 v7, $0xF;
	v4 =	vadd.s32 $0x1BD11BF4, v4  }
0xd8: {  	v3 =	vadd.s32 v4, v3;
	v12 =	vshrl.u32 v4, $0x13;
	v4 =	vshll.u32 v4, $0xD  }
0xd9: {  	v7 =	vshll.u32 v7, $0x11;
	v3 =	vadd.s32 $0x2A, v3;
	v4 =	vor.u32 v12, v4  }
0xda: {  	v1 =	vadd.s32 $0x2A, v1;
	v6 =	vor.u32 v9, v6;
	v4 =	vxor.u32 v3, v4  }
0xdb: {  	v2 =	vadd.s32 $0x2A, v2;
	v9 =	vshrl.u32 v4, $0x11;
	v12 =	vshll.u32 v4, $0xF  }
0xdc: {  	v8 =	vor.u32 v10, v8;
	v3 =	vadd.s32 v3, v4;
	v4 =	vor.u32 v9, v12  }
0xdd: {  	v5 =	vadd.s32 $0x2A, v5;
	v7 =	vor.u32 v11, v7;
	v4 =	vxor.u32 v3, v4  }
0xde: {  	v6 =	vxor.u32 v1, v6;
	v9 =	vshrl.u32 v4, $0x6;
	v10 =	vshll.u32 v4, $0x1A  }
0xdf: {  	v8 =	vxor.u32 v2, v8;
	v3 =	vadd.s32 v3, v4;
	v4 =	vor.u32 v9, v10  }
0xe0: {  	v7 =	vxor.u32 v5, v7;
	v9 =	vshrl.u32 v6, $0x3;
	v4 =	vxor.u32 v3, v4  }
0xe1: {  	v10 =	vshll.u32 v6, $0x1D;
	v11 =	vshrl.u32 v4, $0x1A;
	v12 =	vshll.u32 v4, $0x6  }
0xe2: {  	v13 =	vshrl.u32 v8, $0x3;
	v3 =	vadd.s32 v3, v4;
	v4 =	vor.u32 v11, v12  }
0xe3: {  	v11 =	vshll.u32 v8, $0x1D;
	v12 =	vshrl.u32 v7, $0x3;
	v4 =	vxor.u32 v3, v4  }
0xe4: {  	v14 =	vshll.u32 v7, $0x1D;
	v3 =	vadd.s32 $0x1BD11BF0, v3;
	v4 =	vadd.s32 $0x5, v4  }
0xe5: {  	s10 =	sadd.s32 $0x40, s10;
	v9 =	vor.u32 v9, v10;
	v10 =	vor.u32 v13, v11;
	v3 =	vxor.u32 v3, v4  }
0xe6: {  	v1 =	vadd.s32 v1, v6;
	v2 =	vadd.s32 v2, v8;
	v4 =	vor.u32 v12, v14;
	[tilespmem:s10+$0x10] =	vst v3  }
0xe7: {  	v5 =	vadd.s32 v5, v7;
	v6 =	vxor.u32 v2, v10;
	v3 =	vxor.u32 v1, v9  }
0xe8: {  	v4 =	vxor.u32 v5, v4;
	v7 =	vshrl.u32 v3, $0x10;
	v8 =	vshll.u32 v3, $0x10  }
0xe9: {  	v10 =	vshll.u32 v6, $0x10;
	v9 =	vshrl.u32 v6, $0x10;
	v11 =	vshrl.u32 v4, $0x10  }
0xea: {  	v7 =	vor.u32 v7, v8;
	v8 =	vor.u32 v9, v10;
	v9 =	vshll.u32 v4, $0x10  }
0xeb: {  	v2 =	vadd.s32 v2, v6;
	v1 =	vadd.s32 v1, v3;
	v3 =	vor.u32 v11, v9  }
0xec: {  	v4 =	vadd.s32 v5, v4;
	v6 =	vxor.u32 v1, v7;
	v7 =	vxor.u32 v2, v8  }
0xed: {  	v5 =	vshrl.u32 v6, $0x8;
	v8 =	vshll.u32 v6, $0x18;
	v3 =	vxor.u32 v4, v3  }
0xee: {  	v9 =	vshrl.u32 v7, $0x8;
	v10 =	vshll.u32 v7, $0x18;
	v11 =	vshrl.u32 v3, $0x8  }
0xef: {  	v5 =	vor.u32 v5, v8;
	v8 =	vor.u32 v9, v10;
	v9 =	vshll.u32 v3, $0x18  }
0xf0: {  	v1 =	vadd.s32 v1, v6;
	v2 =	vadd.s32 v2, v7;
	v6 =	vor.u32 v11, v9  }
0xf1: {  	v3 =	vadd.s32 v4, v3;
	v5 =	vxor.u32 v1, v5;
	v7 =	vxor.u32 v2, v8  }
0xf2: {  	v4 =	vadd.s32 $0x2, v5;
	v5 =	vadd.s32 $0x2, v7;
	v6 =	vxor.u32 v3, v6  }
0xf3: {  	v1 =	vadd.s32 v4, v1;
	v7 =	vshrl.u32 v4, $0x13;
	v6 =	vadd.s32 $0x2, v6  }
0xf4: {  	v4 =	vshll.u32 v4, $0xD;
	v2 =	vadd.s32 v5, v2;
	v8 =	vshrl.u32 v5, $0x13  }
0xf5: {  	v5 =	vshll.u32 v5, $0xD;
	v3 =	vadd.s32 v6, v3;
	v9 =	vshrl.u32 v6, $0x13  }
0xf6: {  	v1 =	vadd.s32 $0x1BD11BF0, v1;
	v4 =	vor.u32 v7, v4;
	v6 =	vshll.u32 v6, $0xD  }
0xf7: {  	v2 =	vadd.s32 $0x1BD11BF0, v2;
	v5 =	vor.u32 v8, v5;
	v3 =	vadd.s32 $0x1BD11BF0, v3  }
0xf8: {  	v4 =	vxor.u32 v1, v4;
	v5 =	vxor.u32 v2, v5;
	v6 =	vor.u32 v9, v6  }
0xf9: {  	v7 =	vshrl.u32 v4, $0x11;
	v8 =	vshll.u32 v4, $0xF;
	v6 =	vxor.u32 v3, v6  }
0xfa: {  	v9 =	vshrl.u32 v5, $0x11;
	v10 =	vshll.u32 v5, $0xF;
	v11 =	vshrl.u32 v6, $0x11  }
0xfb: {  	v7 =	vor.u32 v7, v8;
	v8 =	vor.u32 v9, v10;
	v9 =	vshll.u32 v6, $0xF  }
0xfc: {  	v1 =	vadd.s32 v1, v4;
	v2 =	vadd.s32 v2, v5;
	v4 =	vor.u32 v11, v9  }
0xfd: {  	v3 =	vadd.s32 v3, v6;
	v5 =	vxor.u32 v1, v7;
	v7 =	vxor.u32 v2, v8  }
0xfe: {  	v6 =	vshrl.u32 v5, $0x6;
	v8 =	vshll.u32 v5, $0x1A;
	v4 =	vxor.u32 v3, v4  }
0xff: {  	v9 =	vshrl.u32 v7, $0x6;
	v10 =	vshll.u32 v7, $0x1A;
	v11 =	vshrl.u32 v4, $0x6  }
0x100: {  	v6 =	vor.u32 v6, v8;
	v8 =	vor.u32 v9, v10;
	v9 =	vshll.u32 v4, $0x1A  }
0x101: {  	v1 =	vadd.s32 v1, v5;
	v2 =	vadd.s32 v2, v7;
	v5 =	vor.u32 v11, v9  }
0x102: {  	v3 =	vadd.s32 v3, v4;
	v6 =	vxor.u32 v1, v6;
	v7 =	vxor.u32 v2, v8  }
0x103: {  	v4 =	vshrl.u32 v6, $0x1A;
	v8 =	vshll.u32 v6, $0x6;
	v5 =	vxor.u32 v3, v5  }
0x104: {  	v9 =	vshrl.u32 v7, $0x1A;
	v10 =	vshll.u32 v7, $0x6;
	v11 =	vshrl.u32 v5, $0x1A  }
0x105: {  	v4 =	vor.u32 v4, v8;
	v8 =	vor.u32 v9, v10;
	v9 =	vshll.u32 v5, $0x6  }
0x106: {  	v1 =	vadd.s32 v1, v6;
	v2 =	vadd.s32 v2, v7;
	v6 =	vor.u32 v11, v9  }
0x107: {  	v3 =	vadd.s32 v3, v5;
	v4 =	vxor.u32 v1, v4;
	v7 =	vxor.u32 v2, v8  }
0x108: {  	v4 =	vadd.s32 $0x2D, v4;
	v5 =	vadd.s32 $0x2D, v7;
	v6 =	vxor.u32 v3, v6  }
0x109: {  	v7 =	vshrl.u32 v4, $0xF;
	v8 =	vshll.u32 v4, $0x11;
	v6 =	vadd.s32 $0x2D, v6  }
0x10a: {  	v9 =	vshrl.u32 v5, $0xF;
	v10 =	vshll.u32 v5, $0x11;
	v11 =	vshrl.u32 v6, $0xF  }
0x10b: {  	v7 =	vor.u32 v7, v8;
	v8 =	vor.u32 v9, v10;
	v9 =	vshll.u32 v6, $0x11  }
0x10c: {  	v1 =	vadd.s32 v1, v4;
	v2 =	vadd.s32 v2, v5;
	v4 =	vor.u32 v11, v9  }
0x10d: {  	v3 =	vadd.s32 v3, v6;
	v5 =	vxor.u32 v1, v7;
	v7 =	vxor.u32 v2, v8  }
0x10e: {  	v6 =	vshrl.u32 v5, $0x3;
	v8 =	vshll.u32 v5, $0x1D;
	v4 =	vxor.u32 v3, v4  }
0x10f: {  	v9 =	vshrl.u32 v7, $0x3;
	v10 =	vshll.u32 v7, $0x1D;
	v11 =	vshrl.u32 v4, $0x3  }
0x110: {  	v6 =	vor.u32 v6, v8;
	v8 =	vor.u32 v9, v10;
	v9 =	vshll.u32 v4, $0x1D  }
0x111: {  	v1 =	vadd.s32 v1, v5;
	v2 =	vadd.s32 v2, v7;
	v5 =	vor.u32 v11, v9  }
0x112: {  	v3 =	vadd.s32 v3, v4;
	v6 =	vxor.u32 v1, v6;
	v7 =	vxor.u32 v2, v8  }
0x113: {  	v4 =	vshrl.u32 v6, $0x10;
	v8 =	vshll.u32 v6, $0x10;
	v5 =	vxor.u32 v3, v5  }
0x114: {  	v9 =	vshrl.u32 v7, $0x10;
	v10 =	vshll.u32 v7, $0x10;
	v11 =	vshrl.u32 v5, $0x10  }
0x115: {  	v4 =	vor.u32 v4, v8;
	v8 =	vor.u32 v9, v10;
	v9 =	vshll.u32 v5, $0x10  }
0x116: {  	v1 =	vadd.s32 v1, v6;
	v2 =	vadd.s32 v2, v7;
	v6 =	vor.u32 v11, v9  }
0x117: {  	v3 =	vadd.s32 v3, v5;
	v4 =	vxor.u32 v1, v4;
	v7 =	vxor.u32 v2, v8  }
0x118: {  	v5 =	vshrl.u32 v4, $0x8;
	v8 =	vshll.u32 v4, $0x18;
	v6 =	vxor.u32 v3, v6  }
0x119: {  	v9 =	vshrl.u32 v7, $0x8;
	v10 =	vshll.u32 v7, $0x18;
	v11 =	vshrl.u32 v6, $0x8  }
0x11a: {  	v5 =	vor.u32 v5, v8;
	v8 =	vor.u32 v9, v10;
	v9 =	vshll.u32 v6, $0x18  }
0x11b: {  	v1 =	vadd.s32 v1, v4;
	v2 =	vadd.s32 v2, v7;
	v4 =	vor.u32 v11, v9  }
0x11c: {  	v3 =	vadd.s32 v3, v6;
	v5 =	vxor.u32 v1, v5;
	v7 =	vxor.u32 v2, v8  }
0x11d: {  	v5 =	vadd.s32 $0x1BD11BF4, v5;
	v6 =	vadd.s32 $0x1BD11BF4, v7;
	v4 =	vxor.u32 v3, v4  }
0x11e: {  	v1 =	vadd.s32 v5, v1;
	v7 =	vshrl.u32 v5, $0x13;
	v4 =	vadd.s32 $0x1BD11BF4, v4  }
0x11f: {  	v5 =	vshll.u32 v5, $0xD;
	v2 =	vadd.s32 v6, v2;
	v8 =	vshrl.u32 v6, $0x13  }
0x120: {  	v6 =	vshll.u32 v6, $0xD;
	v3 =	vadd.s32 v4, v3;
	v9 =	vshrl.u32 v4, $0x13  }
0x121: {  	v1 =	vadd.s32 $0x2A, v1;
	v5 =	vor.u32 v7, v5;
	v4 =	vshll.u32 v4, $0xD  }
0x122: {  	v2 =	vadd.s32 $0x2A, v2;
	v6 =	vor.u32 v8, v6;
	v3 =	vadd.s32 $0x2A, v3  }
0x123: {  	v5 =	vxor.u32 v1, v5;
	v6 =	vxor.u32 v2, v6;
	v4 =	vor.u32 v9, v4  }
0x124: {  	v7 =	vshrl.u32 v5, $0x11;
	v8 =	vshll.u32 v5, $0xF;
	v4 =	vxor.u32 v3, v4  }
0x125: {  	v9 =	vshrl.u32 v6, $0x11;
	v10 =	vshll.u32 v6, $0xF;
	v11 =	vshrl.u32 v4, $0x11  }
0x126: {  	v7 =	vor.u32 v7, v8;
	v8 =	vor.u32 v9, v10;
	v9 =	vshll.u32 v4, $0xF  }
0x127: {  	v1 =	vadd.s32 v1, v5;
	v2 =	vadd.s32 v2, v6;
	v5 =	vor.u32 v11, v9  }
0x128: {  	v6 =	vxor.u32 v1, v7;
	v7 =	vxor.u32 v2, v8;
	v8 =	vadd.s32 v3, v4  }
0x129: {  	v3 =	vshrl.u32 v6, $0x6;
	v4 =	vshll.u32 v6, $0x1A;
	v5 =	vxor.u32 v8, v5  }
0x12a: {  	v9 =	vshrl.u32 v7, $0x6;
	v10 =	vshll.u32 v7, $0x1A;
	v11 =	vshrl.u32 v5, $0x6  }
0x12b: {  	v12 =	vor.u32 v3, v4;
	v9 =	vor.u32 v9, v10;
	v10 =	vshll.u32 v5, $0x1A  }
.Ltmp0:
0x12c: {  	v3 =	vadd.s32 v1, v6;
	v4 =	vadd.s32 v2, v7;
	v1 =	vor.u32 v11, v10;
	(pc) =	sbr.rel @p0 .LBB2_3-.Ltmp0, $4  }
0x12d: {  	v2 =	vadd.s32 v8, v5;
	v6 =	vxor.u32 v3, v12;
	v7 =	vxor.u32 v4, v9  }
0x12e: {  	v9 =	vshrl.u32 v6, $0x1A;
	v10 =	vshll.u32 v6, $0x6;
	v5 =	vxor.u32 v2, v1  }
0x12f: {  	v11 =	vshrl.u32 v7, $0x1A;
	v12 =	vshll.u32 v7, $0x6;
	v8 =	vshrl.u32 v5, $0x1A  }
0x130: {  	s14 =	sshrl.u32 s13, $0x4;
	s13 =	sadd.s32 $0x1, s13;
	v1 =	vor.u32 v9, v10;
	v9 =	vor.u32 v11, v12;
	v10 =	vshll.u32 v5, $0x6  }
0x131: {  	s12 =	sadd.s32 s12, s14;
	v3 =	vadd.s32 v3, v6;
	v4 =	vadd.s32 v4, v7;
	v43 =	vor.u32 v8, v10  }
0x132: {  	s11 =	sadd.s32 $0x40, s11;
	v2 =	vadd.s32 v2, v5;
	s12 =	smul.u32 $0x3E8, s12;
	v1 =	vxor.u32 v3, v1;
	v7 =	vxor.u32 v4, v9  }
0x133: {  	s13 =	sadd.s32 $0x30, s11;
	v6 =	vxor.u32 v2, v43;
	v3 =	vadd.s32 $0x1BD11BF0, v3;
	v4 =	vadd.s32 $0x1BD11BF0, v4;
	s26 =	sadd.s32 $0x10, s11;
	s28 =	sadd.s32 $0x20, s11  }
0x134: {  	s11 =	sand.u32 $0x3C0, s11;
	v2 =	vadd.s32 $0x1BD11BF0, v2;
	v1 =	vadd.s32 $0x5, v1;
	v44 =	vadd.s32 $0x5, v7;
	s13 =	sand.u32 $0x3F0, s13;
	s12 =	sadd.s32 $0x2A, s12  }
0x135: {  	v6 =	vadd.s32 $0x5, v6;
	s14 =	sand.u32 $0x3D0, s26;
	v1 =	vxor.u32 v3, v1;
	v3 =	vxor.u32 v4, v44;
	s13 =	sadd.s32 s13, s12;
	s11 =	sadd.s32 s11, s12  }
0x136: {  	v2 =	vxor.u32 v2, v6;
	s14 =	sadd.s32 s14, s12;
	v45 =	vadd.s32 s13, v0;
	v49 =	vadd.s32 s11, v0  }
0x137: {  	s13 =	sand.u32 $0x3E0, s28;
	v50 =	vadd.s32 s14, v0;
	v46 =	vshrl.u32 v45, $0x13;
	v47 =	vshll.u32 v45, $0xD  }
0x138: {  	s12 =	sadd.s32 s13, s12;
	v11 =	vshrl.u32 v49, $0x13;
	v55 =	vshll.u32 v49, $0xD;
	v56 =	vshrl.u32 v50, $0x13  }
0x139: {  	v12 =	vshll.u32 v50, $0xD;
	v48 =	vor.u32 v46, v47;
	v51 =	vadd.s32 s12, v0  }
0x13a: {  	v9 =	vor.u32 v11, v55;
	v10 =	vor.u32 v56, v12;
	v4 =	vxor.u32 v45, v48  }
0x13b: {  	v15 =	vshrl.u32 v51, $0x13;
	v58 =	vshll.u32 v51, $0xD;
	v9 =	vxor.u32 v49, v9  }
0x13c: {  	v10 =	vxor.u32 v50, v10;
	v52 =	vshrl.u32 v4, $0x11;
	v53 =	vshll.u32 v4, $0xF  }
0x13d: {  	v4 =	vadd.s32 v45, v4;
	v62 =	vor.u32 v15, v58;
	v63 =	vshrl.u32 v9, $0x11  }
0x13e: {  	v19 =	vshll.u32 v9, $0xF;
	v20 =	vshrl.u32 v10, $0x11;
	v21 =	vshll.u32 v10, $0xF  }
0x13f: {  	v5 =	vadd.s32 v49, v9;
	v6 =	vadd.s32 v50, v10;
	v54 =	vor.u32 v52, v53  }
0x140: {  	v11 =	vxor.u32 v51, v62;
	v12 =	vor.u32 v63, v19;
	v7 =	vxor.u32 v4, v54  }
0x141: {  	v23 =	vshrl.u32 v11, $0x11;
	v24 =	vshll.u32 v11, $0xF;
	v8 =	vadd.s32 v51, v11  }
0x142: {  	v28 =	vxor.u32 v5, v12;
	v13 =	vshrl.u32 v7, $0x6;
	v14 =	vshll.u32 v7, $0x1A  }
0x143: {  	v4 =	vadd.s32 v4, v7;
	v32 =	vshrl.u32 v28, $0x6;
	v33 =	vshll.u32 v28, $0x1A  }
0x144: {  	v5 =	vadd.s32 v5, v28;
	v57 =	vor.u32 v13, v14;
	v13 =	vor.u32 v20, v21  }
0x145: {  	v11 =	vor.u32 v32, v33;
	v7 =	vxor.u32 v4, v57;
	v13 =	vxor.u32 v6, v13  }
0x146: {  	v42 =	vxor.u32 v5, v11;
	v59 =	vshrl.u32 v7, $0x1A;
	v60 =	vshll.u32 v7, $0x6  }
0x147: {  	v4 =	vadd.s32 v4, v7;
	v34 =	vshrl.u32 v13, $0x6;
	v35 =	vshll.u32 v13, $0x1A  }
0x148: {  	v48 =	vshrl.u32 v42, $0x1A;
	v49 =	vshll.u32 v42, $0x6;
	v61 =	vor.u32 v59, v60  }
0x149: {  	v5 =	vadd.s32 v5, v42;
	v11 =	vor.u32 v48, v49;
	v7 =	vxor.u32 v4, v61  }
0x14a: {  	v6 =	vadd.s32 v6, v13;
	v59 =	vxor.u32 v5, v11;
	v7 =	vadd.s32 $0x1BD11BF1, v7  }
0x14b: {  	v10 =	vadd.s32 $0x1BD11BF1, v59;
	v4 =	vadd.s32 v7, v4;
	v18 =	vshrl.u32 v7, $0xF  }
0x14c: {  	v7 =	vshll.u32 v7, $0x11;
	v5 =	vadd.s32 v10, v5;
	v19 =	vshrl.u32 v10, $0xF  }
0x14d: {  	v10 =	vshll.u32 v10, $0x11;
	v4 =	vadd.s32 $0x2A, v4;
	v7 =	vor.u32 v18, v7  }
0x14e: {  	v5 =	vadd.s32 $0x2A, v5;
	v10 =	vor.u32 v19, v10;
	v7 =	vxor.u32 v4, v7  }
0x14f: {  	v10 =	vxor.u32 v5, v10;
	v22 =	vshrl.u32 v7, $0x3;
	v16 =	vshll.u32 v7, $0x1D  }
0x150: {  	v4 =	vadd.s32 v4, v7;
	v7 =	vor.u32 v23, v24;
	v32 =	vshrl.u32 v10, $0x3  }
0x151: {  	v33 =	vshll.u32 v10, $0x1D;
	v14 =	vor.u32 v22, v16;
	v7 =	vxor.u32 v8, v7  }
0x152: {  	v5 =	vadd.s32 v5, v10;
	v14 =	vxor.u32 v4, v14;
	v36 =	vshrl.u32 v7, $0x6  }
0x153: {  	v38 =	vshll.u32 v7, $0x1A;
	v7 =	vadd.s32 v8, v7;
	v25 =	vshrl.u32 v14, $0x10  }
0x154: {  	v26 =	vshll.u32 v14, $0x10;
	v4 =	vadd.s32 v4, v14;
	v14 =	vor.u32 v34, v35  }
0x155: {  	v12 =	vor.u32 v36, v38;
	v27 =	vor.u32 v25, v26;
	v44 =	vxor.u32 v6, v14  }
0x156: {  	v12 =	vxor.u32 v7, v12;
	v9 =	vxor.u32 v4, v27;
	v14 =	vshrl.u32 v44, $0x1A  }
0x157: {  	v52 =	vshll.u32 v44, $0x6;
	v53 =	vshrl.u32 v12, $0x1A;
	v54 =	vshll.u32 v12, $0x6  }
0x158: {  	v7 =	vadd.s32 v7, v12;
	v29 =	vshrl.u32 v9, $0x8;
	v30 =	vshll.u32 v9, $0x18  }
0x159: {  	v12 =	vor.u32 v32, v33;
	v4 =	vadd.s32 v4, v9;
	v31 =	vor.u32 v29, v30  }
0x15a: {  	v13 =	vor.u32 v53, v54;
	v10 =	vxor.u32 v5, v12;
	v9 =	vxor.u32 v4, v31  }
0x15b: {  	v63 =	vxor.u32 v7, v13;
	v12 =	vshll.u32 v10, $0x10;
	v9 =	vadd.s32 $0x2, v9  }
0x15c: {  	v4 =	vadd.s32 v9, v4;
	v37 =	vshrl.u32 v9, $0x13;
	v9 =	vshll.u32 v9, $0xD  }
0x15d: {  	v11 =	vadd.s32 $0x1BD11BF1, v63;
	v9 =	vor.u32 v37, v9;
	v4 =	vadd.s32 $0x1BD11BF0, v4  }
0x15e: {  	v5 =	vadd.s32 v5, v10;
	v7 =	vadd.s32 v11, v7;
	v9 =	vxor.u32 v4, v9  }
0x15f: {  	v24 =	vshrl.u32 v11, $0xF;
	v39 =	vshrl.u32 v9, $0x11;
	v40 =	vshll.u32 v9, $0xF  }
0x160: {  	v11 =	vshll.u32 v11, $0x11;
	v4 =	vadd.s32 v4, v9;
	v41 =	vor.u32 v39, v40  }
0x161: {  	v7 =	vadd.s32 $0x2A, v7;
	v11 =	vor.u32 v24, v11;
	v43 =	vxor.u32 v4, v41  }
0x162: {  	v11 =	vxor.u32 v7, v11;
	v45 =	vshrl.u32 v43, $0x6;
	v46 =	vshll.u32 v43, $0x1A  }
0x163: {  	v38 =	vshrl.u32 v11, $0x3;
	v4 =	vadd.s32 v4, v43;
	v47 =	vor.u32 v45, v46  }
0x164: {  	v7 =	vadd.s32 v7, v11;
	v39 =	vshll.u32 v11, $0x1D;
	v8 =	vxor.u32 v4, v47  }
0x165: {  	v41 =	vshrl.u32 v10, $0x10;
	v50 =	vshrl.u32 v8, $0x1A;
	v51 =	vshll.u32 v8, $0x6  }
0x166: {  	v11 =	vor.u32 v41, v12;
	v4 =	vadd.s32 v4, v8;
	v15 =	vor.u32 v50, v51  }
0x167: {  	v6 =	vadd.s32 v6, v44;
	v10 =	vxor.u32 v5, v11;
	v15 =	vxor.u32 v4, v15  }
0x168: {  	v40 =	vor.u32 v38, v39;
	v49 =	vshrl.u32 v10, $0x8;
	v55 =	vadd.s32 $0x2D, v15  }
0x169: {  	v8 =	vor.u32 v14, v52;
	v15 =	vshrl.u32 v55, $0xF;
	v56 =	vshll.u32 v55, $0x11  }
0x16a: {  	v8 =	vxor.u32 v6, v8;
	v4 =	vadd.s32 v4, v55;
	v57 =	vor.u32 v15, v56  }
0x16b: {  	v5 =	vadd.s32 v5, v10;
	v8 =	vadd.s32 $0x1BD11BF1, v8;
	v58 =	vxor.u32 v4, v57  }
0x16c: {  	v6 =	vadd.s32 v8, v6;
	v60 =	vshrl.u32 v58, $0x3;
	v61 =	vshll.u32 v58, $0x1D  }
0x16d: {  	v23 =	vshrl.u32 v8, $0xF;
	v4 =	vadd.s32 v4, v58;
	v62 =	vor.u32 v60, v61  }
0x16e: {  	v8 =	vshll.u32 v8, $0x11;
	v6 =	vadd.s32 $0x2A, v6;
	v9 =	vxor.u32 v4, v62  }
0x16f: {  	v8 =	vor.u32 v23, v8;
	v16 =	vshrl.u32 v9, $0x10;
	v17 =	vshll.u32 v9, $0x10  }
0x170: {  	v8 =	vxor.u32 v6, v8;
	v4 =	vadd.s32 v4, v9;
	v18 =	vor.u32 v16, v17  }
0x171: {  	v36 =	vshrl.u32 v8, $0x3;
	v37 =	vshll.u32 v8, $0x1D;
	v9 =	vxor.u32 v4, v18  }
0x172: {  	v6 =	vadd.s32 v6, v8;
	v20 =	vshrl.u32 v9, $0x8;
	v21 =	vshll.u32 v9, $0x18  }
0x173: {  	v8 =	vxor.u32 v7, v40;
	v4 =	vadd.s32 v4, v9;
	v22 =	vor.u32 v20, v21  }
0x174: {  	v50 =	vshll.u32 v10, $0x18;
	v44 =	vshrl.u32 v8, $0x10;
	v9 =	vxor.u32 v4, v22  }
0x175: {  	v46 =	vshll.u32 v8, $0x10;
	v7 =	vadd.s32 v7, v8;
	v9 =	vadd.s32 $0x1BD11BF4, v9  }
0x176: {  	v4 =	vadd.s32 v9, v4;
	v25 =	vshrl.u32 v9, $0x13;
	v9 =	vshll.u32 v9, $0xD  }
0x177: {  	v8 =	vor.u32 v49, v50;
	v4 =	vadd.s32 $0x2A, v4;
	v9 =	vor.u32 v25, v9  }
0x178: {  	v8 =	vxor.u32 v5, v8;
	v9 =	vxor.u32 v4, v9  }
0x179: {  	v8 =	vadd.s32 $0x2, v8;
	v26 =	vshrl.u32 v9, $0x11;
	v27 =	vshll.u32 v9, $0xF  }
0x17a: {  	v5 =	vadd.s32 v8, v5;
	v4 =	vadd.s32 v4, v9;
	v28 =	vor.u32 v26, v27  }
0x17b: {  	v58 =	vshrl.u32 v8, $0x13;
	v8 =	vshll.u32 v8, $0xD;
	v9 =	vxor.u32 v4, v28  }
0x17c: {  	v5 =	vadd.s32 $0x1BD11BF0, v5;
	v29 =	vshrl.u32 v9, $0x6;
	v30 =	vshll.u32 v9, $0x1A  }
0x17d: {  	v8 =	vor.u32 v58, v8;
	v4 =	vadd.s32 v4, v9;
	v31 =	vor.u32 v29, v30  }
0x17e: {  	v47 =	vor.u32 v44, v46;
	v8 =	vxor.u32 v5, v8;
	v9 =	vxor.u32 v4, v31  }
0x17f: {  	v61 =	vshrl.u32 v8, $0x11;
	v62 =	vshll.u32 v8, $0xF;
	v34 =	vshrl.u32 v9, $0x1A  }
0x180: {  	v35 =	vshll.u32 v9, $0x6;
	v4 =	vadd.s32 v4, v9;
	v9 =	vor.u32 v36, v37  }
0x181: {  	v5 =	vadd.s32 v5, v8;
	v14 =	vor.u32 v34, v35;
	v9 =	vxor.u32 v6, v9  }
0x182: {  	v14 =	vxor.u32 v4, v14;
	v4 =	vadd.s32 $0x1BD11BF0, v4;
	v42 =	vshrl.u32 v9, $0x10  }
0x183: {  	v43 =	vshll.u32 v9, $0x10;
	v6 =	vadd.s32 v6, v9;
	v9 =	vxor.u32 v7, v47  }
0x184: {  	v14 =	vadd.s32 $0x5, v14;
	v45 =	vor.u32 v42, v43;
	v53 =	vshrl.u32 v9, $0x8  }
0x185: {  	v55 =	vshll.u32 v9, $0x18;
	v7 =	vadd.s32 v7, v9;
	v48 =	vxor.u32 v6, v45  }
0x186: {  	v56 =	vor.u32 v53, v55;
	v51 =	vshrl.u32 v48, $0x8;
	v52 =	vshll.u32 v48, $0x18  }
0x187: {  	v6 =	vadd.s32 v6, v48;
	v10 =	vxor.u32 v7, v56;
	v54 =	vor.u32 v51, v52  }
0x188: {  	v4 =	vxor.u32 v4, v14;
	v10 =	vadd.s32 $0x2, v10;
	v11 =	vxor.u32 v6, v54  }
0x189: {  	v7 =	vadd.s32 v10, v7;
	v60 =	vshrl.u32 v10, $0x13;
	v10 =	vshll.u32 v10, $0xD  }
0x18a: {  	v57 =	vadd.s32 $0x2, v11;
	v7 =	vadd.s32 $0x1BD11BF0, v7;
	v10 =	vor.u32 v60, v10  }
0x18b: {  	v11 =	vor.u32 v61, v62;
	v6 =	vadd.s32 v57, v6;
	v59 =	vshrl.u32 v57, $0x13  }
0x18c: {  	v9 =	vshll.u32 v57, $0xD;
	v10 =	vxor.u32 v7, v10;
	v23 =	vxor.u32 v5, v11  }
0x18d: {  	v6 =	vadd.s32 $0x1BD11BF0, v6;
	v9 =	vor.u32 v59, v9;
	v19 =	vshrl.u32 v10, $0x11  }
0x18e: {  	v21 =	vshll.u32 v10, $0xF;
	v7 =	vadd.s32 v7, v10;
	v25 =	vshrl.u32 v23, $0x6  }
0x18f: {  	v26 =	vshll.u32 v23, $0x1A;
	v5 =	vadd.s32 v5, v23;
	v9 =	vxor.u32 v6, v9  }
0x190: {  	v22 =	vor.u32 v19, v21;
	v10 =	vor.u32 v25, v26;
	v63 =	vshrl.u32 v9, $0x11  }
0x191: {  	v18 =	vshll.u32 v9, $0xF;
	v6 =	vadd.s32 v6, v9;
	v8 =	vxor.u32 v7, v22  }
0x192: {  	v10 =	vxor.u32 v5, v10;
	v20 =	vor.u32 v63, v18;
	v29 =	vshrl.u32 v8, $0x6  }
0x193: {  	v31 =	vshll.u32 v8, $0x1A;
	v7 =	vadd.s32 v7, v8;
	v33 =	vshrl.u32 v10, $0x1A  }
0x194: {  	v34 =	vshll.u32 v10, $0x6;
	v5 =	vadd.s32 v5, v10;
	v24 =	vxor.u32 v6, v20  }
0x195: {  	v32 =	vor.u32 v29, v31;
	v8 =	vor.u32 v33, v34;
	v27 =	vshrl.u32 v24, $0x6  }
0x196: {  	v28 =	vshll.u32 v24, $0x1A;
	v6 =	vadd.s32 v6, v24;
	v9 =	vxor.u32 v7, v32  }
0x197: {  	v8 =	vxor.u32 v5, v8;
	v30 =	vor.u32 v27, v28;
	v37 =	vshrl.u32 v9, $0x1A  }
0x198: {  	v39 =	vshll.u32 v9, $0x6;
	v7 =	vadd.s32 v7, v9;
	v8 =	vadd.s32 $0x2D, v8  }
0x199: {  	v11 =	vxor.u32 v6, v30;
	v40 =	vor.u32 v37, v39;
	v42 =	vshrl.u32 v8, $0xF  }
0x19a: {  	v43 =	vshll.u32 v8, $0x11;
	v35 =	vshrl.u32 v11, $0x1A;
	v36 =	vshll.u32 v11, $0x6  }
0x19b: {  	v6 =	vadd.s32 v6, v11;
	v10 =	vxor.u32 v7, v40;
	v38 =	vor.u32 v35, v36  }
0x19c: {  	v5 =	vadd.s32 v5, v8;
	v10 =	vadd.s32 $0x2D, v10;
	v11 =	vxor.u32 v6, v38  }
0x19d: {  	v46 =	vshrl.u32 v10, $0xF;
	v48 =	vshll.u32 v10, $0x11;
	v7 =	vadd.s32 v7, v10  }
0x19e: {  	v41 =	vadd.s32 $0x2D, v11;
	v11 =	vor.u32 v42, v43;
	v49 =	vor.u32 v46, v48  }
0x19f: {  	v44 =	vshrl.u32 v41, $0xF;
	v45 =	vshll.u32 v41, $0x11;
	v6 =	vadd.s32 v6, v41  }
0x1a0: {  	v50 =	vxor.u32 v5, v11;
	v8 =	vxor.u32 v7, v49;
	v47 =	vor.u32 v44, v45  }
0x1a1: {  	v52 =	vshrl.u32 v50, $0x3;
	v53 =	vshll.u32 v50, $0x1D;
	v56 =	vshrl.u32 v8, $0x3  }
0x1a2: {  	v58 =	vshll.u32 v8, $0x1D;
	v5 =	vadd.s32 v5, v50;
	v7 =	vadd.s32 v7, v8  }
0x1a3: {  	v51 =	vxor.u32 v6, v47;
	v10 =	vor.u32 v52, v53;
	v59 =	vor.u32 v56, v58  }
0x1a4: {  	v54 =	vshrl.u32 v51, $0x3;
	v55 =	vshll.u32 v51, $0x1D;
	v6 =	vadd.s32 v6, v51  }
0x1a5: {  	v10 =	vxor.u32 v5, v10;
	v9 =	vxor.u32 v7, v59;
	v57 =	vor.u32 v54, v55  }
0x1a6: {  	v60 =	vshrl.u32 v10, $0x10;
	v61 =	vshll.u32 v10, $0x10;
	v18 =	vshrl.u32 v9, $0x10  }
0x1a7: {  	v20 =	vshll.u32 v9, $0x10;
	v5 =	vadd.s32 v5, v10;
	v7 =	vadd.s32 v7, v9  }
0x1a8: {  	v11 =	vxor.u32 v6, v57;
	v8 =	vor.u32 v60, v61;
	v21 =	vor.u32 v18, v20  }
0x1a9: {  	v62 =	vshrl.u32 v11, $0x10;
	v63 =	vshll.u32 v11, $0x10;
	v6 =	vadd.s32 v6, v11  }
0x1aa: {  	v8 =	vxor.u32 v5, v8;
	v10 =	vxor.u32 v7, v21;
	v19 =	vor.u32 v62, v63  }
0x1ab: {  	v22 =	vshrl.u32 v8, $0x8;
	v23 =	vshll.u32 v8, $0x18;
	v26 =	vshrl.u32 v10, $0x8  }
0x1ac: {  	v28 =	vshll.u32 v10, $0x18;
	v5 =	vadd.s32 v5, v8;
	v7 =	vadd.s32 v7, v10  }
0x1ad: {  	v11 =	vxor.u32 v6, v19;
	v9 =	vor.u32 v22, v23;
	v29 =	vor.u32 v26, v28  }
0x1ae: {  	v24 =	vshrl.u32 v11, $0x8;
	v25 =	vshll.u32 v11, $0x18;
	v6 =	vadd.s32 v6, v11  }
0x1af: {  	v9 =	vxor.u32 v5, v9;
	v8 =	vxor.u32 v7, v29;
	v27 =	vor.u32 v24, v25  }
0x1b0: {  	v9 =	vadd.s32 $0x1BD11BF4, v9;
	v8 =	vadd.s32 $0x1BD11BF4, v8;
	v11 =	vxor.u32 v6, v27  }
0x1b1: {  	v5 =	vadd.s32 v9, v5;
	v31 =	vshrl.u32 v9, $0x13;
	v9 =	vshll.u32 v9, $0xD  }
0x1b2: {  	v7 =	vadd.s32 v8, v7;
	v33 =	vshrl.u32 v8, $0x13;
	v8 =	vshll.u32 v8, $0xD  }
0x1b3: {  	v30 =	vadd.s32 $0x1BD11BF4, v11;
	v5 =	vadd.s32 $0x2A, v5;
	v9 =	vor.u32 v31, v9  }
0x1b4: {  	v7 =	vadd.s32 $0x2A, v7;
	v8 =	vor.u32 v33, v8;
	v6 =	vadd.s32 v30, v6  }
0x1b5: {  	v32 =	vshrl.u32 v30, $0x13;
	v10 =	vshll.u32 v30, $0xD;
	v9 =	vxor.u32 v5, v9  }
0x1b6: {  	v8 =	vxor.u32 v7, v8;
	v6 =	vadd.s32 $0x2A, v6;
	v10 =	vor.u32 v32, v10  }
0x1b7: {  	v34 =	vshrl.u32 v9, $0x11;
	v35 =	vshll.u32 v9, $0xF;
	v38 =	vshrl.u32 v8, $0x11  }
0x1b8: {  	v40 =	vshll.u32 v8, $0xF;
	v5 =	vadd.s32 v5, v9;
	v7 =	vadd.s32 v7, v8  }
0x1b9: {  	v10 =	vxor.u32 v6, v10;
	v11 =	vor.u32 v34, v35;
	v41 =	vor.u32 v38, v40  }
0x1ba: {  	v36 =	vshrl.u32 v10, $0x11;
	v37 =	vshll.u32 v10, $0xF;
	v6 =	vadd.s32 v6, v10  }
0x1bb: {  	v42 =	vxor.u32 v5, v11;
	v9 =	vxor.u32 v7, v41;
	v39 =	vor.u32 v36, v37  }
0x1bc: {  	v44 =	vshrl.u32 v42, $0x6;
	v45 =	vshll.u32 v42, $0x1A;
	v48 =	vshrl.u32 v9, $0x6  }
0x1bd: {  	v50 =	vshll.u32 v9, $0x1A;
	v5 =	vadd.s32 v5, v42;
	v7 =	vadd.s32 v7, v9  }
0x1be: {  	v43 =	vxor.u32 v6, v39;
	v8 =	vor.u32 v44, v45;
	v51 =	vor.u32 v48, v50  }
0x1bf: {  	v46 =	vshrl.u32 v43, $0x6;
	v47 =	vshll.u32 v43, $0x1A;
	v6 =	vadd.s32 v6, v43  }
0x1c0: {  	v8 =	vxor.u32 v5, v8;
	v10 =	vxor.u32 v7, v51;
	v49 =	vor.u32 v46, v47  }
0x1c1: {  	v52 =	vshrl.u32 v8, $0x1A;
	v53 =	vshll.u32 v8, $0x6;
	v56 =	vshrl.u32 v10, $0x1A  }
0x1c2: {  	[tilespmem:s10+$0xFFFFFFE0] =	vst v1;
	v58 =	vshll.u32 v10, $0x6;
	v1 =	vadd.s32 v5, v8;
	v7 =	vadd.s32 v7, v10  }
0x1c3: {  	v11 =	vxor.u32 v6, v49;
	v9 =	vor.u32 v52, v53;
	v60 =	vor.u32 v56, v58  }
0x1c4: {  	v63 =	vadd.s32 $0x1BD11BF0, v7;
	v54 =	vshrl.u32 v11, $0x1A;
	v55 =	vshll.u32 v11, $0x6  }
0x1c5: {  	[tilespmem:s10+$0xFFFFFFF0] =	vst v3;
	v59 =	vadd.s32 v6, v11;
	v3 =	vxor.u32 v1, v9;
	v1 =	vadd.s32 $0x1BD11BF0, v1  }
0x1c6: {  	s29 =	sadd.s32 $0x40, s10;
	[tilespmem:s10+$0x0] =	vst v2;
	v62 =	vxor.u32 v7, v60;
	v57 =	vor.u32 v54, v55;
	v2 =	vadd.s32 $0x5, v3  }
0x1c7: {  	s30 =	sshll.u32 s9, $0xD;
	[tilespmem:s29+$0x10] =	vst v4;
	v61 =	vxor.u32 v59, v57;
	v1 =	vxor.u32 v1, v2;
	v2 =	vadd.s32 $0x5, v62  }
0x1c8: {  	s9 =	sadd.s32 $0x1, s9;
	s11 =	sadd.s32 s5, s30;
	v5 =	vadd.s32 $0x1BD11BF0, v59;
	v3 =	vadd.s32 $0x5, v61;
	[tilespmem:s29+$0xFFFFFFE0] =	vst v1;
	v1 =	vxor.u32 v63, v2  }
0x1c9: {  	p0 =	sne.s32 s9, $0x58;
	s11 =	sshrl.u32 s11, $0x3;
	v3 =	vxor.u32 v5, v3;
	[tilespmem:s29+$0x0] =	vst v1  }
.Ltmp1:
0x1ca: {  	s31 =	sadd.s32 s3, s11;
	[tilespmem:s29+$0xFFFFFFF0] =	vst v3;
	(pc) =	sbr.rel @p0 .LBB2_2-.Ltmp1, $4  }
0x1cb: {  	[hbm4b:s31+s2] =	stream.linear.scatter [tilespmem:s2], [sflag:$0x1], $0x2000, $0x38;
	[tilespmem:$0x2000] =	vst v63  }
0x1cc: {  	_ =	swait.ge [sflag:s7], $0x2000  }
0x1cd: {  	[sflag:s7] =	ssyncset.done $0x0  }
0x1ce: {  	[sflag:s7] =	ssyncadd.s32 $0xFFFFE000  }
0x1cf: {  	s8 =	sadd.s32 $0x1, s8  }
0x1d0: {  	p0 =	sne.s32 s8, s6  }
.Ltmp2:
0x1d1: {  	_ = 	snop;
	(pc) =	sbr.rel @p0 .LBB2_1-.Ltmp2, $1  }
0x1d2: {  	_ =	sdelay $0x3  }
0x1d3: {  	_ =	sfence.sel $0x180000  }
0x1d4: {  	[bflag:$0x0] =	sbarrier.arrive $0xFFFF  }
0x1d5: {  	p0 =	sne.s32 s0, $0x0;
	_ =	strace $0x90000047  }
0x1d6: {  	s0 =	sadd.s32 @!p0 $0x100000, s1;
	[bflag:$0x2] =	sbarrier.arrive $0xFFFF  }
0x1d7: {  	[sflag:s0] =	ssyncadd.tile.s32 @!p0 $0x1;
	_ =	shalt  }
.Lfunc_end2:
_tile_overlayer_lowered:
.L_overlay_start_2:
0x1d8: {  	(tag) =	ssettag $0x2  }
0x1d9: {  	s0 =	rddreg [dreg:$0x0];
	s2 =	stileid.u32  }
0x1da: {  	s1 =	rddreg [dreg:$0x1];
	p0 =	sne.s32 s2, $0x0  }
0x1db: {  	s3 =	rddreg [dreg:$0x2];
	[bflag:$0x3] =	sbarrier.arrive $0xFFFF;
	s2 =	simm.s32 @!p0 $0x1C01  }
0x1dc: {  	[timem:s3], [sflag:s2] =	dma.local @!p0 [hbm:s0], s1  }
0x1dd: {  	s0 =	simm.s32 @!p0 $0x1  }
0x1de: {  	_ =	swait.ge @!p0 [sflag:s0], s1  }
0x1df: {  	s1 =	ssub.s32 @!p0 $0x0, s1;
	[sflag:s0] =	ssyncset.done @!p0 $0x0  }
0x1e0: {  	[sflag:s0] =	ssyncadd.s32 @!p0 s1  }
0x1e1: {  	[bflag:$0x3] =	sbarrier.arrive $0xFFFF  }
0x1e2: {  	_ =	shalt  }

// kernel: kernel.9.cloned.1.call-start
scs
__scs_entry_jumppad:
0x0: {  	(pc) =	sbr.rel $0x88, $3  }
0x1: {  	(tag) =	ssettag $0x0;
	lr =	simm.s32 $0x1  }
0x2: {  	[smem:$0x3F9E] =	sst lr;
	_ =	strace $0xD0000000  }
0x3: {  	_ = 	snop  }
0x4: {  	_ = 	snop  }
0x5: {  	_ = 	snop  }
0x6: {  	_ = 	snop  }
0x7: {  	_ = 	snop  }
__scs_overlays_trampoline_lowered:
0x8: {  	[smem:$0x3FAD] =	sst s0  }
0x9: {  	[smem:$0x3FAE] =	sst s1  }
0xa: {  	[smem:$0x3FAF] =	sst s2  }
0xb: {  	[smem:$0x3FB0] =	sst s3  }
0xc: {  	[smem:$0x3FB1] =	sst s4  }
0xd: {  	[smem:$0x3FB2] =	sst s5  }
0xe: {  	[smem:$0x3FB3] =	sst s6  }
0xf: {  	[smem:$0x3FB4] =	sst s7  }
0x10: {  	[smem:$0x3FB5] =	sst s8  }
0x11: {  	[smem:$0x3FB6] =	sst s9;
	s0 =	simm.s32 @!p0 $0x0  }
0x12: {  	s1 =	sld [smem:$0x3F9C];
	s0 =	simm.s32 @p0 $0x1  }
0x13: {  	[smem:$0x3FB7] =	sst s0;
	s0 =	simm.s32 @!p1 $0x0  }
0x14: {  	s2 =	sld [smem:$0x3F9B];
	s0 =	simm.s32 @p1 $0x1  }
0x15: {  	[smem:$0x3FB8] =	sst s0;
	s0 =	simm.s32 @!p2 $0x0  }
0x16: {  	s3 =	sld [smem:$0x3FDB];
	s0 =	simm.s32 @p2 $0x1  }
0x17: {  	s4 =	simm.s32 $0x1BF5;
	[smem:$0x3FBA] =	sst s0  }
0x18: {  	s0 =	sld [smem:$0x3F9D];
	_ =	swait.ge [sflag:s4], $0x0  }
0x19: {  	s7 =	sld [smem:$0x3F9E]  }
0x1a: {  	s8 =	sadd.s32 $0xFFFFE003, lr  }
0x1b: {  	s9 =	sadd.s32 $0xFFFFFEF7, lr;
	s5 =	simm.s32 $0xFFFFFFFF;
	p2 =	slt.u32 s8, $0xFFFFF086  }
0x1c: {  	p1 =	slt.u32 s9, $0xF7A;
	s5 =	simm.s32 @!p2 $0x0  }
0x1d: {  	s5 =	simm.s32 @p1 $0x1;
	p0 =	seq.s32 s7, s2  }
0x1e: {  	s7 =	smul.u32 @!p0 $0xF7A, s2;
	p2 =	seq.s32 @!p0 s5, $0x0  }
0x1f: {  	s9 =	smul.u32 $0xF7A, s1;
	s8 =	simm.s32 @!p0 $0x1BF5;
	p2 =	por !p2, p0  }
0x20: {  	[sflag:s8] =	ssyncset.s32 @!p0 $0xFFFFF086;
	s6 =	sadd.s32 @!p0 s3, s7;
	s7 =	simm.s32 @!p0 $0x108  }
0x21: {  	s3 =	sadd.s32 s3, s9;
	s6 =	sadd.s32 @!p0 $0x88, s6;
	s7 =	simm.s32 @p2 $0x1082  }
0x22: {  	[simem:s7], [sflag:s8] =	dma.local @!p0 [hbm:s6], $0xF7A  }
0x23: {  	s9 =	sor.u32 $0xD0000000, s2;
	s6 =	simm.s32 $0x108;
	_ =	swait.ge @!p0 [sflag:s8], $0x0  }
0x24: {  	s3 =	sadd.s32 $0x88, s3;
	s6 =	simm.s32 @!p1 $0x1082;
	[sflag:s4] =	ssyncset.s32 $0xFFFFF086  }
0x25: {  	[simem:s6], [sflag:s4] =	dma.local [hbm:s3], $0xF7A  }
0x26: {  	[smem:$0x3F9E] =	sst s1;
	(tag) =	ssettag s2;
	_ =	strace s9  }
0x27: {  	s1 =	sld [smem:$0x3FAE]  }
0x28: {  	s2 =	sld [smem:$0x3FAF]  }
0x29: {  	s4 =	sld [smem:$0x3FB1]  }
0x2a: {  	p0 =	seq.s32 s5, $0x0;
	s5 =	sld [smem:$0x3FB2]  }
0x2b: {  	s6 =	sld [smem:$0x3FB3]  }
0x2c: {  	s7 =	sld [smem:$0x3FB4]  }
0x2d: {  	s3 =	simm.s32 $0x108;
	s8 =	sld [smem:$0x3FB5]  }
0x2e: {  	s3 =	simm.s32 @!p0 $0x1082;
	s9 =	sld [smem:$0x3FB6]  }
0x2f: {  	lr =	sadd.s32 s0, s3;
	s0 =	sld [smem:$0x3FAD]  }
0x30: {  	s3 =	sld [smem:$0x3FB0]  }
0x31: {  	[smem:$0x3FB9] =	sst s10  }
0x32: {  	s10 =	sld [smem:$0x3FB7];
	_ =	sdelay $0x3  }
0x33: {  	p0 =	seq.s32 s10, $0x1;
	s10 =	sld [smem:$0x3FB9];
	_ =	sdelay $0x3  }
0x34: {  	[smem:$0x3FB9] =	sst s10  }
0x35: {  	s10 =	sld [smem:$0x3FB8];
	_ =	sdelay $0x3  }
0x36: {  	p1 =	seq.s32 s10, $0x1;
	s10 =	sld [smem:$0x3FB9];
	_ =	sdelay $0x3  }
0x37: {  	[smem:$0x3FB9] =	sst s10  }
0x38: {  	s10 =	sld [smem:$0x3FBA]  }
0x39: {  	_ = 	snop;
	(pc) =	sbr.ind lr, $3  }
0x3a: {  	_ = 	snop  }
0x3b: {  	_ = 	snop  }
0x3c: {  	p2 =	seq.s32 s10, $0x1;
	s10 =	sld [smem:$0x3FB9]  }
0x3d: {  	_ =	shalt  }
0x3e: {  	_ =	shalt  }
0x3f: {  	_ =	shalt  }
0x40: {  	_ =	shalt  }
0x41: {  	_ =	shalt  }
0x42: {  	_ =	shalt  }
0x43: {  	_ =	shalt  }
0x44: {  	_ =	shalt  }
0x45: {  	_ =	shalt  }
0x46: {  	_ =	shalt  }
0x47: {  	_ =	shalt  }
0x48: {  	_ =	shalt  }
0x49: {  	_ =	shalt  }
0x4a: {  	_ =	shalt  }
0x4b: {  	_ =	shalt  }
0x4c: {  	_ =	shalt  }
0x4d: {  	_ =	shalt  }
0x4e: {  	_ =	shalt  }
0x4f: {  	_ =	shalt  }
0x50: {  	_ =	shalt  }
0x51: {  	_ =	shalt  }
0x52: {  	_ =	shalt  }
0x53: {  	_ =	shalt  }
0x54: {  	_ =	shalt  }
0x55: {  	_ =	shalt  }
0x56: {  	_ =	shalt  }
0x57: {  	_ =	shalt  }
0x58: {  	_ =	shalt  }
0x59: {  	_ =	shalt  }
0x5a: {  	_ =	shalt  }
0x5b: {  	_ =	shalt  }
0x5c: {  	_ =	shalt  }
0x5d: {  	_ =	shalt  }
0x5e: {  	_ =	shalt  }
0x5f: {  	_ =	shalt  }
0x60: {  	_ =	shalt  }
0x61: {  	_ =	shalt  }
0x62: {  	_ =	shalt  }
0x63: {  	_ =	shalt  }
0x64: {  	_ =	shalt  }
0x65: {  	_ =	shalt  }
0x66: {  	_ =	shalt  }
0x67: {  	_ =	shalt  }
0x68: {  	_ =	shalt  }
0x69: {  	_ =	shalt  }
0x6a: {  	_ =	shalt  }
0x6b: {  	_ =	shalt  }
0x6c: {  	_ =	shalt  }
0x6d: {  	_ =	shalt  }
0x6e: {  	_ =	shalt  }
0x6f: {  	_ =	shalt  }
0x70: {  	_ =	shalt  }
0x71: {  	_ =	shalt  }
0x72: {  	_ =	shalt  }
0x73: {  	_ =	shalt  }
0x74: {  	_ =	shalt  }
0x75: {  	_ =	shalt  }
0x76: {  	_ =	shalt  }
0x77: {  	_ =	shalt  }
0x78: {  	_ =	shalt  }
0x79: {  	_ =	shalt  }
0x7a: {  	_ =	shalt  }
0x7b: {  	_ =	shalt  }
0x7c: {  	_ =	shalt  }
0x7d: {  	_ =	shalt  }
0x7e: {  	_ =	shalt  }
0x7f: {  	_ =	shalt  }
0x80: {  	_ =	shalt  }
0x81: {  	_ =	shalt  }
0x82: {  	_ =	shalt  }
0x83: {  	_ =	shalt  }
0x84: {  	_ =	shalt  }
0x85: {  	_ =	shalt  }
0x86: {  	_ =	shalt  }
0x87: {  	_ =	shalt  }
.Lfunc_end0:
.L_simem_size_0:
called_computation.1_lowered:
.L_overlay_start_0:
0x88: {  	s2 =	sld [smem:$0x3FD9]  }
0x89: {  	s3 =	sld [smem:$0x3FFE];
	_ =	sdelay $0x1  }
0x8a: {  	s1 =	srdreg.scid  }
0x8b: {  	s0 =	sand.u32 $0x1, s1  }
0x8c: {  	s17 =	sshll.u32 s0, $0xA;
	s2 =	sadd.s32 s3, s2  }
0x8d: {  	s2 =	sadd.s32 s2, s17  }
0x8e: {  	[smem:$0x3FC5] =	sst s2  }
0x8f: {  	_ = 	snop  }
0x90: {  	(tm) =	ssettm $0x1  }
0x91: {  	s18 =	sld [smem:$0x3FFB];
	_ =	sdelay $0x3  }
0x92: {  	_ =	strace s18  }
0x93: {  	s2 =	sld [smem:$0x3FFC];
	_ =	sdelay $0x3  }
0x94: {  	_ =	strace s2  }
0x95: {  	s2 =	sld [smem:$0x3FFD];
	_ =	sdelay $0x3  }
0x96: {  	_ =	strace s2  }
0x97: {  	_ =	strace $0x8FFFFFFF  }
0x98: {  	s19 =	sld [smem:$0x3FDB];
	_ =	sdelay $0x1  }
0x99: {  	s20 =	simm.s32 $_scs_section_size  }
0x9a: {  	s4 =	simm.s32 $_size__tile_overlayer_lowered;
	s5 =	simm.s32 $_tile_overlayer_lowered  }
0x9b: {  	s6 =	simm.s32 $0x1BFF;
	s21 =	sshll.u32 s5, $0x1;
	s3 =	sadd.s32 s20, s19  }
0x9c: {  	s22 =	simm.s32 $0x0;
	s4 =	sshll.u32 s4, $0x1;
	s5 =	sadd.s32 s21, s3  }
0x9d: {  	[timem:s22], [sflag:s6] =	dma.local [hbm:s5], s4  }
0x9e: {  	_ =	swait.ge [sflag:s6], s4  }
0x9f: {  	s4 =	ssub.s32 $0x0, s4;
	[sflag:s6] =	ssyncset.done $0x0  }
0xa0: {  	[sflag:s6] =	ssyncadd.s32 s4;
	_ =	sdelay $0x1  }
0xa1: {  	s23 =	simm.s32 $0x1B8B  }
0xa2: {  	_ =	swait.ge [sflag:s23], $0x1  }
0xa3: {  	[sflag:s23] =	ssyncset.done $0x0  }
0xa4: {  	[sflag:s23] =	ssyncadd.s32 $0xFFFFFFFF  }
0xa5: {  	s4 =	sld [smem:$0x0]  }
0xa6: {  	s5 =	sand.u32 $0xFFFFFFFE, s1  }
0xa7: {  	p0 =	sne.s32 s1, s5  }
0xa8: {  	s5 =	sshll.u32 @p0 s5, $0xE  }
0xa9: {  	s5 =	sadd.s32 @p0 $0x11B8D, s5;
	s6 =	sshll.u32 @p0 s4, $0x11  }
0xaa: {  	s5 =	sor.u32 @p0 s6, s5  }
0xab: {  	[sflag:s5] =	ssyncadd.remote.s32 @p0 $0x1;
	_ =	sdelay $0x1  }
0xac: {  	s5 =	simm.s32 @p0 $0x1B8D  }
0xad: {  	_ =	swait.eq @p0 [sflag:s5], $0x1  }
0xae: {  	[sflag:s5] =	ssyncadd.s32 @p0 $0xFFFFFFFF  }
0xaf: {  	s6 =	sshll.u32 @!p0 s1, $0xE  }
0xb0: {  	s6 =	sor.u32 @!p0 $0x4000, s6;
	s5 =	simm.s32 @!p0 $0x1B8D  }
0xb1: {  	s4 =	sshll.u32 @!p0 s4, $0x11;
	s6 =	sadd.s32 @!p0 $0x11B8D, s6;
	_ =	swait.eq @!p0 [sflag:s5], $0x1  }
0xb2: {  	s4 =	sor.u32 @!p0 s4, s6;
	[sflag:s5] =	ssyncadd.s32 @!p0 $0xFFFFFFFF  }
0xb3: {  	s25 =	simm.s32 $0x1B8E;
	s24 =	sld [smem:$0x3FFE];
	[sflag:s4] =	ssyncadd.remote.s32 @!p0 $0x1  }
0xb4: {  	s26 =	simm.s32 $execute0_lowered;
	[smem:$0x3FD2] =	sst s25  }
0xb5: {  	s5 =	sshll.u32 s26, $0x1;
	_ =	strace $0x80000049;
	[dreg:$0x1] =	wrdreg $0xFFFFFFFF  }
0xb6: {  	s28 =	simm.s32 $_size_execute0_lowered;
	s3 =	sadd.s32 s3, s5;
	[dreg:$0x0] =	wrdreg $0x0  }
0xb7: {  	s5 =	sshll.u32 s28, $0x1;
	[dreg:$0x2] =	wrdreg s3  }
0xb8: {  	[dreg:$0x3] =	wrdreg s5  }
0xb9: {  	[dreg:$0x4] =	wrdreg $0xC0  }
0xba: {  	_ =	task [dreg:s22], $0x5FFFF  }
0xbb: {  	[dreg:$0x1] =	wrdreg $0xFFFFFFFF  }
0xbc: {  	[dreg:$0x0] =	wrdreg $0x60  }
0xbd: {  	[dreg:$0x2] =	wrdreg s24  }
0xbe: {  	[dreg:$0x3] =	wrdreg $0xA  }
0xbf: {  	_ =	task.clear_ibuf [dreg:s22], $0x4FFFF;
	_ =	strace $0x90000049  }
0xc0: {  	s29 =	simm.s32 $0xA;
	_ =	strace $0x8000004B  }
0xc1: {  	_ =	swait.ge [sflag:s29], $0x1  }
0xc2: {  	[sflag:s29] =	ssyncadd.s32 $0xFFFFFFFF  }
0xc3: {  	_ =	strace $0x9000004B  }
0xc4: {  	_ =	sfence  }
0xc5: {  	s30 =	sld [smem:$0x0];
	_ =	sdelay $0x2  }
0xc6: {  	s31 =	sshll.u32 s1, $0xD;
	s1 =	sshrl.u32 s1, $0x2  }
0xc7: {  	s4 =	sand.u32 $0x4000, s31;
	s1 =	sadd.s32 s1, s30  }
0xc8: {  	s0 =	sor.u32 s4, s0;
	s1 =	sshll.u32 s1, $0x11  }
0xc9: {  	s0 =	sor.u32 s1, s0  }
0xca: {  	s0 =	sadd.s32 $0x8F2B, s0  }
0xcb: {  	[sflag:s0] =	ssyncadd.remote.s32 $0x1  }
0xcc: {  	_ =	sfence.sel $0xFFFF  }
0xcd: {  	[dreg:$0x0] =	wrdreg $0xFFFFFFFF;
	(pc) =	sbr.abs _section_cstart, $3  }
0xce: {  	[dreg:$0x1] =	wrdreg $0xFFFFFFFF  }
0xcf: {  	_ =	task.clear_ibuf [dreg:s22], $0x2FFFF;
	_ =	strace $0x9FFFFFFF  }
0xd0: {  	(tm) =	ssettm $0x7FFFFFFF  }
0xd1: {  	_ =	shalt  }
tec
execute0_lowered:
.L_overlay_start_1:
0x0: {  	(tag) =	ssettag $0x1  }
0x1: {  	s4 =	rddreg [dreg:$0x0]  }
0x2: {  	s0 =	rddreg [dreg:$0x1]  }
0x3: {  	s3 =	srdreg.scid;
	s1 =	stileid.u32;
	s2 =	simm.s32 $0x0  }
0x4: {  	s9 =	simm.s32 $0x800;
	s10 =	simm.s32 $0x1000;
	s11 =	simm.s32 $0x1800  }
0x5: {  	s12 =	simm.s32 $0x1;
	s13 =	simm.s32 $0x2000;
	s14 =	simm.s32 $0x0  }
0x6: {  	s3 =	sand.u32 $0x1, s3;
	s5 =	sshll.u32 s1, $0x1;
	[smem:$0x7FF] =	sst s2  }
0x7: {  	s5 =	sor.u32 s3, s5;
	_ =	strace $0x8000004A;
	s7 =	ssub.s32 $0x2, s3  }
0x8: {  	s3 =	sadd.s32 $0x2C4200, s4;
	s6 =	sshll.u32 s5, $0x8;
	s5 =	sshll.u32 s5, $0x4  }
0x9: {  	s31 =	sshrl.u32 s7, $0x1;
	s6 =	sadd.s32 s6, s4;
	s8 =	sadd.s32 s5, s4  }
0xa: {  	s7 =	ssub.s32 s7, s31;
	s4 =	sadd.s32 $0x2C0200, s6;
	s5 =	sadd.s32 $0x2C2200, s6  }
0xb: {  	s6 =	sadd.s32 $0x2E2C00, s8;
	s7 =	smax.u32 s7, $0x1;
	s8 =	simm.s32 $0x2  }
.LBB2_1:
0xc: {  	[tilespmem:s2], [sflag:$0x2] =	stream.linear.gather [hbm4b:s4+s2], $0x800, $0x38;
	[tilespmem:$0x2080] =	vst v63  }
0xd: {  	_ =	swait.ge [sflag:s8], $0x800  }
0xe: {  	[sflag:s8] =	ssyncset.done $0x0  }
0xf: {  	[sflag:s8] =	ssyncadd.s32 $0xFFFFF800  }
0x10: {  	[tilespmem:s9], [sflag:$0x2] =	stream.linear.gather [hbm4b:s5+s2], $0x800, $0x38;
	[tilespmem:$0x2080] =	vst v63  }
0x11: {  	_ =	swait.ge [sflag:s8], $0x800  }
0x12: {  	[sflag:s8] =	ssyncset.done $0x0  }
0x13: {  	s15 =	simm.s32 $0x0;
	[sflag:s8] =	ssyncadd.s32 $0xFFFFF800  }
0x14: {  	v0 =	vld [tilespmem:s15+$0x0]  }
0x15: {  	s16 =	simm.s32 $0x40;
	v1 =	vld [tilespmem:s15+$0x800]  }
.LBB2_2:
0x16: {  	_ = 	snop  }
0x17: {  	p0 =	sne.s32 s16, $0x1FC0  }
.Ltmp0:
0x18: {  	_ = 	snop;
	(pc) =	sbr.rel @p0 .LBB2_2-.Ltmp0, $4  }
0x19: {  	v2 =	vmul.u32 $0x3E8, v0  }
0x1a: {  	s17 =	sshra.s32 s16, $0x2  }
0x1b: {  	v0 =	vld [tilespmem:s17+$0x0];
	v2 =	vadd.s32 v1, v2  }
0x1c: {  	s16 =	sadd.s32 $0x40, s16;
	v1 =	vld [tilespmem:s17+$0x800];
	[tilespmem:s15+$0x1000] =	vst v2;
	s15 =	smov.u32 s17  }
0x1d: {  	_ =	sdelay $0x2  }
0x1e: {  	v0 =	vmul.u32 $0x3E8, v0;
	_ =	sdelay $0x1  }
0x1f: {  	v0 =	vadd.s32 v1, v0  }
0x20: {  	[tilespmem:s15+$0x1000] =	vst v0  }
0x21: {  	[tilespmem:s11], [sflag:$0x1] =	stream.indirect.gather [hbm4b:s3+s9], $0x1, s10, s9, $0xb8;
	[tilespmem:$0x2080] =	vst v63  }
0x22: {  	_ =	swait.ge [sflag:s12], $0x800  }
0x23: {  	[sflag:s12] =	ssyncset.done $0x0  }
0x24: {  	s16 =	simm.s32 $0x0;
	[sflag:s12] =	ssyncadd.s32 $0xFFFFF800  }
0x25: {  	v0 =	vimm.f32 $0.0e+00;
	s15 =	simm.s32 $0x40;
	v1 =	vld [tilespmem:s16+$0x1800]  }
.LBB2_4:
0x26: {  	p0 =	sne.s32 s15, $0x1FC0  }
.Ltmp1:
0x27: {  	_ = 	snop;
	(pc) =	sbr.rel @p0 .LBB2_4-.Ltmp1, $3  }
0x28: {  	_ =	sdelay $0x1  }
0x29: {  	s16 =	sshra.s32 s15, $0x2;
	s15 =	sadd.s32 $0x40, s15;
	v0 =	vadd.f32 v1, v0  }
0x2a: {  	v1 =	vld [tilespmem:s16+$0x1800]  }
0x2b: {  	_ =	sdelay $0x3  }
0x2c: {  	s14 =	sadd.s32 $0x1, s14;
	v0 =	vadd.f32 v1, v0  }
0x2d: {  	p0 =	sne.s32 s14, s7  }
.Ltmp2:
0x2e: {  	[tilespmem:$0x2000] =	vst v0;
	(pc) =	sbr.rel @p0 .LBB2_1-.Ltmp2, $4  }
0x2f: {  	[hbm4b:s6+s2] =	stream.linear.scatter [tilespmem:s13], [sflag:$0x2], $0x80, $0x38;
	[tilespmem:$0x2080] =	vst v63  }
0x30: {  	_ =	swait.ge [sflag:s8], $0x80  }
0x31: {  	[sflag:s8] =	ssyncset.done $0x0  }
0x32: {  	[sflag:s8] =	ssyncadd.s32 $0xFFFFFF80  }
0x33: {  	_ =	sfence.sel $0x180000  }
0x34: {  	[bflag:$0x0] =	sbarrier.arrive $0xFFFF  }
0x35: {  	p0 =	sne.s32 s1, $0x0;
	_ =	strace $0x9000004A  }
0x36: {  	s0 =	sadd.s32 @!p0 $0x100000, s0;
	[bflag:$0x2] =	sbarrier.arrive $0xFFFF  }
0x37: {  	[sflag:s0] =	ssyncadd.tile.s32 @!p0 $0x1;
	_ =	shalt  }
.Lfunc_end2:
_tile_overlayer_lowered:
.L_overlay_start_2:
0x38: {  	(tag) =	ssettag $0x2  }
0x39: {  	s0 =	rddreg [dreg:$0x0];
	s2 =	stileid.u32  }
0x3a: {  	s1 =	rddreg [dreg:$0x1];
	p0 =	sne.s32 s2, $0x0  }
0x3b: {  	s3 =	rddreg [dreg:$0x2];
	[bflag:$0x3] =	sbarrier.arrive $0xFFFF;
	s2 =	simm.s32 @!p0 $0x1C02  }
0x3c: {  	[timem:s3], [sflag:s2] =	dma.local @!p0 [hbm:s0], s1  }
0x3d: {  	s0 =	simm.s32 @!p0 $0x2  }
0x3e: {  	_ =	swait.ge @!p0 [sflag:s0], s1  }
0x3f: {  	s1 =	ssub.s32 @!p0 $0x0, s1;
	[sflag:s0] =	ssyncset.done @!p0 $0x0  }
0x40: {  	[sflag:s0] =	ssyncadd.s32 @!p0 s1  }
0x41: {  	[bflag:$0x3] =	sbarrier.arrive $0xFFFF  }
0x42: {  	_ =	shalt  }

</sc_bundles>
